<compile_context>
chip_gen: v7x
topology: tpu7x:2x2x1
jax: 0.10.2.dev20260603
libtpu: 0.0.44.dev20260713+nightly
codegen_flags: <defaults>
</compile_context>

<pallas_src>
import functools
import jax
import jax.numpy as jnp
from jax import lax
from jax.experimental import pallas as pl
from jax.experimental.pallas import tpu as pltpu
from jax.experimental.pallas import tpu_sc as plsc

D_MODEL = 768
VOCAB = 100000
TOKENS = 4 * 2048
NUM_CORES = 2
NUM_WORKERS = 16 * NUM_CORES
TPW = TOKENS // NUM_WORKERS
CH = 16
NCH = TPW // CH
NBUF = 8


def _body(x_hbm, wt_hbm, out_hbm, x_vm, *rest):
    cid = lax.axis_index("c")
    sid = lax.axis_index("s")
    wid = sid * NUM_CORES + cid
    base = wid * TPW
    pltpu.sync_copy(x_hbm.at[wid], x_vm)

    bufs = rest[:NBUF]
    gsems = rest[NBUF:2 * NBUF]
    wsems = rest[2 * NBUF:]
    gathers = [None] * NCH
    writes = [None] * NCH
    for c in range(NBUF):
        gathers[c] = pltpu.async_copy(
            wt_hbm.at[x_vm.at[c]], bufs[c], gsems[c]
        )
    for c in range(NCH):
        k = c % NBUF
        gathers[c].wait()
        writes[c] = pltpu.async_copy(
            bufs[k], out_hbm.at[pl.ds(base + c * CH, CH)], wsems[k]
        )
        if c + NBUF < NCH:
            writes[c].wait()
            gathers[c + NBUF] = pltpu.async_copy(
                wt_hbm.at[x_vm.at[c + NBUF]], bufs[k], gsems[k]
            )
    for c in range(NCH - NBUF, NCH):
        if writes[c] is not None:
            writes[c].wait()


@jax.jit
def _embed(xf, wt):
    mesh = plsc.VectorSubcoreMesh(
        core_axis_name="c", subcore_axis_name="s", num_cores=NUM_CORES
    )
    f = functools.partial(
        pl.kernel,
        mesh=mesh,
        out_type=jax.ShapeDtypeStruct((TOKENS, D_MODEL), jnp.float32),
        scratch_types=(
            [pltpu.VMEM((NCH, CH), jnp.int32)]
            + [pltpu.VMEM((CH, D_MODEL), jnp.float32)] * NBUF
            + [pltpu.SemaphoreType.DMA] * (2 * NBUF)
        ),
    )(_body)
    return f(xf, wt)


def kernel(x, W_E):
    xf = x.reshape(NUM_WORKERS, NCH, CH).astype(jnp.int32)
    wt = W_E.T
    out = _embed(xf, wt)
    return out.reshape(4, 2048, D_MODEL)

# --- scband reference (transcript-rebuilt; emitter-appended) ---
"""Pipeline reference for scband-embed-26018911879420 (READ-ONLY COPY).

The authoritative reference and input builder live on the scoring server;
editing this copy changes nothing except your own understanding.
"""

import jax, jax.numpy as jnp
import numpy as np

D_VOCAB = 100000
D_MODEL = 768

def setup_inputs(seed: int = 0) -> dict:
    key = jax.random.key(seed)
    k1, k2 = jax.random.split(key)
    x = jax.random.randint(k1, (4, 2048), 0, D_VOCAB, dtype=jnp.int64 if jax.config.jax_enable_x64 else jnp.int32)
    W_E = jax.random.normal(k2, (D_MODEL, D_VOCAB), dtype=jnp.float32) / np.sqrt(D_MODEL)
    return {"x": x, "W_E": W_E}

def reference(x, W_E):
    # torch: einsum('dbp -> bpd', W_E[:, x])
    # W_E[:, x] -> [d_model, batch, pos]; transpose -> [batch, pos, d_model]
    gathered = jnp.take(W_E, x, axis=1)  # [d, b, p]
    return jnp.transpose(gathered, (1, 2, 0))  # [b, p, d]

if __name__ == "__main__":
    import jax
    _d = setup_inputs()
    print(jax.jit(kernel)(*tuple(_d.values())))

</pallas_src>

<mosaic_0001>
#map = affine_map<(d0, d1) -> (0, 0, 0)>
#map1 = affine_map<(d0, d1) -> (0, 0)>
module attributes {stable_mosaic.version = 14 : i64} {
  func.func @_body(%arg0: i32, %arg1: i32, %arg2: memref<32x16x16xi32, #tpu.memory_space<hbm>>, %arg3: memref<100000x768xf32, #tpu.memory_space<hbm>>, %arg4: memref<8192x768xf32, #tpu.memory_space<hbm>>, %arg5: memref<16x16xi32, #tpu.memory_space<vmem>>, %arg6: memref<16x768xf32, #tpu.memory_space<vmem>>, %arg7: memref<16x768xf32, #tpu.memory_space<vmem>>, %arg8: memref<16x768xf32, #tpu.memory_space<vmem>>, %arg9: memref<16x768xf32, #tpu.memory_space<vmem>>, %arg10: memref<16x768xf32, #tpu.memory_space<vmem>>, %arg11: memref<16x768xf32, #tpu.memory_space<vmem>>, %arg12: memref<16x768xf32, #tpu.memory_space<vmem>>, %arg13: memref<16x768xf32, #tpu.memory_space<vmem>>, %arg14: memref<!tpu.dma_semaphore, #tpu.memory_space<semaphore_mem>>, %arg15: memref<!tpu.dma_semaphore, #tpu.memory_space<semaphore_mem>>, %arg16: memref<!tpu.dma_semaphore, #tpu.memory_space<semaphore_mem>>, %arg17: memref<!tpu.dma_semaphore, #tpu.memory_space<semaphore_mem>>, %arg18: memref<!tpu.dma_semaphore, #tpu.memory_space<semaphore_mem>>, %arg19: memref<!tpu.dma_semaphore, #tpu.memory_space<semaphore_mem>>, %arg20: memref<!tpu.dma_semaphore, #tpu.memory_space<semaphore_mem>>, %arg21: memref<!tpu.dma_semaphore, #tpu.memory_space<semaphore_mem>>, %arg22: memref<!tpu.dma_semaphore, #tpu.memory_space<semaphore_mem>>, %arg23: memref<!tpu.dma_semaphore, #tpu.memory_space<semaphore_mem>>, %arg24: memref<!tpu.dma_semaphore, #tpu.memory_space<semaphore_mem>>, %arg25: memref<!tpu.dma_semaphore, #tpu.memory_space<semaphore_mem>>, %arg26: memref<!tpu.dma_semaphore, #tpu.memory_space<semaphore_mem>>, %arg27: memref<!tpu.dma_semaphore, #tpu.memory_space<semaphore_mem>>, %arg28: memref<!tpu.dma_semaphore, #tpu.memory_space<semaphore_mem>>, %arg29: memref<!tpu.dma_semaphore, #tpu.memory_space<semaphore_mem>>) attributes {dimension_semantics = [#tpu.dimension_semantics<core_parallel>, #tpu.dimension_semantics<subcore_parallel>], iteration_bounds = array<i64: 2, 16>, scalar_prefetch = 0 : i64, scratch_operands = 25 : i64, tpu.core_type = #tpu.core_type<sc_vector_subcore>, window_params = [{transform_indices = #map}, {transform_indices = #map1}, {transform_indices = #map1}]} {
    %mul3A = arith.constant 2 : i32
    %mul3A_0 = arith.muli %arg1, %mul3A : i32
    %add3A = arith.addi %mul3A_0, %arg0 : i32
    %mul3A_1 = arith.constant 256 : i32
    %mul3A_2 = arith.muli %add3A, %mul3A_1 : i32
    "tpu.region"() ({
      %run_scoped3A = tpu.sem_alloc : memref<!tpu.dma_semaphore, #tpu.memory_space<semaphore_mem>>
      %dma_start3A_385 = arith.constant 0 : i32
      %dma_start3A_386 = arith.constant 0 : i32
      %dma_start3A_387 = tpu.memref_slice %arg2[%add3A, %dma_start3A_385, %dma_start3A_386] : memref<32x16x16xi32, #tpu.memory_space<hbm>> -> memref<1x16x16xi32, #tpu.memory_space<hbm>>
      %dma_start3A_388 = tpu.memref_squeeze %dma_start3A_387 : memref<1x16x16xi32, #tpu.memory_space<hbm>> -> memref<16x16xi32, #tpu.memory_space<hbm>>
      %dma_start3A_389 = arith.constant 0 : i32
      %dma_start3A_390 = arith.constant 0 : i32
      %dma_start3A_391 = tpu.memref_slice %arg2[%add3A, %dma_start3A_389, %dma_start3A_390] : memref<32x16x16xi32, #tpu.memory_space<hbm>> -> memref<1x16x16xi32, #tpu.memory_space<hbm>>
      %dma_start3A_392 = tpu.memref_squeeze %dma_start3A_391 : memref<1x16x16xi32, #tpu.memory_space<hbm>> -> memref<16x16xi32, #tpu.memory_space<hbm>>
      tpu.enqueue_dma source(%dma_start3A_392 : memref<16x16xi32, #tpu.memory_space<hbm>>) target(%arg5 : memref<16x16xi32, #tpu.memory_space<vmem>>) target_semaphore(%run_scoped3A : memref<!tpu.dma_semaphore, #tpu.memory_space<semaphore_mem>>)
      %dma_wait3A_393 = arith.constant 0 : i32
      %dma_wait3A_394 = arith.constant 0 : i32
      %dma_wait3A_395 = tpu.memref_slice %arg2[%add3A, %dma_wait3A_393, %dma_wait3A_394] : memref<32x16x16xi32, #tpu.memory_space<hbm>> -> memref<1x16x16xi32, #tpu.memory_space<hbm>>
      %dma_wait3A_396 = tpu.memref_squeeze %dma_wait3A_395 : memref<1x16x16xi32, #tpu.memory_space<hbm>> -> memref<16x16xi32, #tpu.memory_space<hbm>>
      %dma_wait3A_397 = arith.constant 0 : i32
      %dma_wait3A_398 = arith.constant 0 : i32
      %dma_wait3A_399 = tpu.memref_slice %arg2[%add3A, %dma_wait3A_397, %dma_wait3A_398] : memref<32x16x16xi32, #tpu.memory_space<hbm>> -> memref<1x16x16xi32, #tpu.memory_space<hbm>>
      %dma_wait3A_400 = tpu.memref_squeeze %dma_wait3A_399 : memref<1x16x16xi32, #tpu.memory_space<hbm>> -> memref<16x16xi32, #tpu.memory_space<hbm>>
      tpu.wait_dma2 semaphore(%run_scoped3A : memref<!tpu.dma_semaphore, #tpu.memory_space<semaphore_mem>>) src(%dma_wait3A_400 : memref<16x16xi32, #tpu.memory_space<hbm>>) dst(%arg5 : memref<16x16xi32, #tpu.memory_space<vmem>>)
      tpu.yield
    }) : () -> ()
    %dma_start3A = arith.constant 0 : i32
    %dma_start3A_3 = arith.constant 0 : i32
    %dma_start3A_4 = tpu.memref_slice %arg5[%dma_start3A, %dma_start3A_3] : memref<16x16xi32, #tpu.memory_space<vmem>> -> memref<1x16xi32, #tpu.memory_space<vmem>>
    %dma_start3A_5 = tpu.memref_squeeze %dma_start3A_4 : memref<1x16xi32, #tpu.memory_space<vmem>> -> memref<16xi32, #tpu.memory_space<vmem>>
    %dma_start3A_6 = arith.constant 0 : i32
    %dma_start3A_7 = arith.constant 0 : i32
    %dma_start3A_8 = tpu.memref_slice %arg3[%dma_start3A_6, %dma_start3A_7] : memref<100000x768xf32, #tpu.memory_space<hbm>> -> memref<100000x768xf32, #tpu.memory_space<hbm>>
    tpu.enqueue_indirect_dma source(%dma_start3A_8 : memref<100000x768xf32, #tpu.memory_space<hbm>>) target(%arg6 : memref<16x768xf32, #tpu.memory_space<vmem>>) offsets(%dma_start3A_5 : memref<16xi32, #tpu.memory_space<vmem>>) semaphore(%arg14 : memref<!tpu.dma_semaphore, #tpu.memory_space<semaphore_mem>>)
    %dma_start3A_9 = arith.constant 1 : i32
    %dma_start3A_10 = arith.constant 0 : i32
    %dma_start3A_11 = tpu.memref_slice %arg5[%dma_start3A_9, %dma_start3A_10] : memref<16x16xi32, #tpu.memory_space<vmem>> -> memref<1x16xi32, #tpu.memory_space<vmem>>
    %dma_start3A_12 = tpu.memref_squeeze %dma_start3A_11 : memref<1x16xi32, #tpu.memory_space<vmem>> -> memref<16xi32, #tpu.memory_space<vmem>>
    %dma_start3A_13 = arith.constant 0 : i32
    %dma_start3A_14 = arith.constant 0 : i32
    %dma_start3A_15 = tpu.memref_slice %arg3[%dma_start3A_13, %dma_start3A_14] : memref<100000x768xf32, #tpu.memory_space<hbm>> -> memref<100000x768xf32, #tpu.memory_space<hbm>>
    tpu.enqueue_indirect_dma source(%dma_start3A_15 : memref<100000x768xf32, #tpu.memory_space<hbm>>) target(%arg7 : memref<16x768xf32, #tpu.memory_space<vmem>>) offsets(%dma_start3A_12 : memref<16xi32, #tpu.memory_space<vmem>>) semaphore(%arg15 : memref<!tpu.dma_semaphore, #tpu.memory_space<semaphore_mem>>)
    %dma_start3A_16 = arith.constant 2 : i32
    %dma_start3A_17 = arith.constant 0 : i32
    %dma_start3A_18 = tpu.memref_slice %arg5[%dma_start3A_16, %dma_start3A_17] : memref<16x16xi32, #tpu.memory_space<vmem>> -> memref<1x16xi32, #tpu.memory_space<vmem>>
    %dma_start3A_19 = tpu.memref_squeeze %dma_start3A_18 : memref<1x16xi32, #tpu.memory_space<vmem>> -> memref<16xi32, #tpu.memory_space<vmem>>
    %dma_start3A_20 = arith.constant 0 : i32
    %dma_start3A_21 = arith.constant 0 : i32
    %dma_start3A_22 = tpu.memref_slice %arg3[%dma_start3A_20, %dma_start3A_21] : memref<100000x768xf32, #tpu.memory_space<hbm>> -> memref<100000x768xf32, #tpu.memory_space<hbm>>
    tpu.enqueue_indirect_dma source(%dma_start3A_22 : memref<100000x768xf32, #tpu.memory_space<hbm>>) target(%arg8 : memref<16x768xf32, #tpu.memory_space<vmem>>) offsets(%dma_start3A_19 : memref<16xi32, #tpu.memory_space<vmem>>) semaphore(%arg16 : memref<!tpu.dma_semaphore, #tpu.memory_space<semaphore_mem>>)
    %dma_start3A_23 = arith.constant 3 : i32
    %dma_start3A_24 = arith.constant 0 : i32
    %dma_start3A_25 = tpu.memref_slice %arg5[%dma_start3A_23, %dma_start3A_24] : memref<16x16xi32, #tpu.memory_space<vmem>> -> memref<1x16xi32, #tpu.memory_space<vmem>>
    %dma_start3A_26 = tpu.memref_squeeze %dma_start3A_25 : memref<1x16xi32, #tpu.memory_space<vmem>> -> memref<16xi32, #tpu.memory_space<vmem>>
    %dma_start3A_27 = arith.constant 0 : i32
    %dma_start3A_28 = arith.constant 0 : i32
    %dma_start3A_29 = tpu.memref_slice %arg3[%dma_start3A_27, %dma_start3A_28] : memref<100000x768xf32, #tpu.memory_space<hbm>> -> memref<100000x768xf32, #tpu.memory_space<hbm>>
    tpu.enqueue_indirect_dma source(%dma_start3A_29 : memref<100000x768xf32, #tpu.memory_space<hbm>>) target(%arg9 : memref<16x768xf32, #tpu.memory_space<vmem>>) offsets(%dma_start3A_26 : memref<16xi32, #tpu.memory_space<vmem>>) semaphore(%arg17 : memref<!tpu.dma_semaphore, #tpu.memory_space<semaphore_mem>>)
    %dma_start3A_30 = arith.constant 4 : i32
    %dma_start3A_31 = arith.constant 0 : i32
    %dma_start3A_32 = tpu.memref_slice %arg5[%dma_start3A_30, %dma_start3A_31] : memref<16x16xi32, #tpu.memory_space<vmem>> -> memref<1x16xi32, #tpu.memory_space<vmem>>
    %dma_start3A_33 = tpu.memref_squeeze %dma_start3A_32 : memref<1x16xi32, #tpu.memory_space<vmem>> -> memref<16xi32, #tpu.memory_space<vmem>>
    %dma_start3A_34 = arith.constant 0 : i32
    %dma_start3A_35 = arith.constant 0 : i32
    %dma_start3A_36 = tpu.memref_slice %arg3[%dma_start3A_34, %dma_start3A_35] : memref<100000x768xf32, #tpu.memory_space<hbm>> -> memref<100000x768xf32, #tpu.memory_space<hbm>>
    tpu.enqueue_indirect_dma source(%dma_start3A_36 : memref<100000x768xf32, #tpu.memory_space<hbm>>) target(%arg10 : memref<16x768xf32, #tpu.memory_space<vmem>>) offsets(%dma_start3A_33 : memref<16xi32, #tpu.memory_space<vmem>>) semaphore(%arg18 : memref<!tpu.dma_semaphore, #tpu.memory_space<semaphore_mem>>)
    %dma_start3A_37 = arith.constant 5 : i32
    %dma_start3A_38 = arith.constant 0 : i32
    %dma_start3A_39 = tpu.memref_slice %arg5[%dma_start3A_37, %dma_start3A_38] : memref<16x16xi32, #tpu.memory_space<vmem>> -> memref<1x16xi32, #tpu.memory_space<vmem>>
    %dma_start3A_40 = tpu.memref_squeeze %dma_start3A_39 : memref<1x16xi32, #tpu.memory_space<vmem>> -> memref<16xi32, #tpu.memory_space<vmem>>
    %dma_start3A_41 = arith.constant 0 : i32
    %dma_start3A_42 = arith.constant 0 : i32
    %dma_start3A_43 = tpu.memref_slice %arg3[%dma_start3A_41, %dma_start3A_42] : memref<100000x768xf32, #tpu.memory_space<hbm>> -> memref<100000x768xf32, #tpu.memory_space<hbm>>
    tpu.enqueue_indirect_dma source(%dma_start3A_43 : memref<100000x768xf32, #tpu.memory_space<hbm>>) target(%arg11 : memref<16x768xf32, #tpu.memory_space<vmem>>) offsets(%dma_start3A_40 : memref<16xi32, #tpu.memory_space<vmem>>) semaphore(%arg19 : memref<!tpu.dma_semaphore, #tpu.memory_space<semaphore_mem>>)
    %dma_start3A_44 = arith.constant 6 : i32
    %dma_start3A_45 = arith.constant 0 : i32
    %dma_start3A_46 = tpu.memref_slice %arg5[%dma_start3A_44, %dma_start3A_45] : memref<16x16xi32, #tpu.memory_space<vmem>> -> memref<1x16xi32, #tpu.memory_space<vmem>>
    %dma_start3A_47 = tpu.memref_squeeze %dma_start3A_46 : memref<1x16xi32, #tpu.memory_space<vmem>> -> memref<16xi32, #tpu.memory_space<vmem>>
    %dma_start3A_48 = arith.constant 0 : i32
    %dma_start3A_49 = arith.constant 0 : i32
    %dma_start3A_50 = tpu.memref_slice %arg3[%dma_start3A_48, %dma_start3A_49] : memref<100000x768xf32, #tpu.memory_space<hbm>> -> memref<100000x768xf32, #tpu.memory_space<hbm>>
    tpu.enqueue_indirect_dma source(%dma_start3A_50 : memref<100000x768xf32, #tpu.memory_space<hbm>>) target(%arg12 : memref<16x768xf32, #tpu.memory_space<vmem>>) offsets(%dma_start3A_47 : memref<16xi32, #tpu.memory_space<vmem>>) semaphore(%arg20 : memref<!tpu.dma_semaphore, #tpu.memory_space<semaphore_mem>>)
    %dma_start3A_51 = arith.constant 7 : i32
    %dma_start3A_52 = arith.constant 0 : i32
    %dma_start3A_53 = tpu.memref_slice %arg5[%dma_start3A_51, %dma_start3A_52] : memref<16x16xi32, #tpu.memory_space<vmem>> -> memref<1x16xi32, #tpu.memory_space<vmem>>
    %dma_start3A_54 = tpu.memref_squeeze %dma_start3A_53 : memref<1x16xi32, #tpu.memory_space<vmem>> -> memref<16xi32, #tpu.memory_space<vmem>>
    %dma_start3A_55 = arith.constant 0 : i32
    %dma_start3A_56 = arith.constant 0 : i32
    %dma_start3A_57 = tpu.memref_slice %arg3[%dma_start3A_55, %dma_start3A_56] : memref<100000x768xf32, #tpu.memory_space<hbm>> -> memref<100000x768xf32, #tpu.memory_space<hbm>>
    tpu.enqueue_indirect_dma source(%dma_start3A_57 : memref<100000x768xf32, #tpu.memory_space<hbm>>) target(%arg13 : memref<16x768xf32, #tpu.memory_space<vmem>>) offsets(%dma_start3A_54 : memref<16xi32, #tpu.memory_space<vmem>>) semaphore(%arg21 : memref<!tpu.dma_semaphore, #tpu.memory_space<semaphore_mem>>)
    %dma_wait3A = arith.constant 0 : i32
    %dma_wait3A_58 = arith.constant 0 : i32
    %dma_wait3A_59 = tpu.memref_slice %arg5[%dma_wait3A, %dma_wait3A_58] : memref<16x16xi32, #tpu.memory_space<vmem>> -> memref<1x16xi32, #tpu.memory_space<vmem>>
    %dma_wait3A_60 = tpu.memref_squeeze %dma_wait3A_59 : memref<1x16xi32, #tpu.memory_space<vmem>> -> memref<16xi32, #tpu.memory_space<vmem>>
    %dma_wait3A_61 = arith.constant 0 : i32
    %dma_wait3A_62 = arith.constant 0 : i32
    %dma_wait3A_63 = tpu.memref_slice %arg3[%dma_wait3A_61, %dma_wait3A_62] : memref<100000x768xf32, #tpu.memory_space<hbm>> -> memref<100000x768xf32, #tpu.memory_space<hbm>>
    tpu.wait_indirect_dma semaphore(%arg14 : memref<!tpu.dma_semaphore, #tpu.memory_space<semaphore_mem>>) src(%dma_wait3A_63 : memref<100000x768xf32, #tpu.memory_space<hbm>>) dst(%arg6 : memref<16x768xf32, #tpu.memory_space<vmem>>)
    %add3A_64 = arith.constant 0 : i32
    %add3A_65 = arith.addi %mul3A_2, %add3A_64 : i32
    %dma_start3A_66 = arith.constant 0 : i32
    %dma_start3A_67 = tpu.memref_slice %arg4[%add3A_65, %dma_start3A_66] : memref<8192x768xf32, #tpu.memory_space<hbm>> -> memref<16x768xf32, #tpu.memory_space<hbm>>
    %dma_start3A_68 = arith.constant 0 : i32
    %dma_start3A_69 = tpu.memref_slice %arg4[%add3A_65, %dma_start3A_68] : memref<8192x768xf32, #tpu.memory_space<hbm>> -> memref<16x768xf32, #tpu.memory_space<hbm>>
    tpu.enqueue_dma source(%arg6 : memref<16x768xf32, #tpu.memory_space<vmem>>) target(%dma_start3A_69 : memref<16x768xf32, #tpu.memory_space<hbm>>) target_semaphore(%arg22 : memref<!tpu.dma_semaphore, #tpu.memory_space<semaphore_mem>>)
    %dma_wait3A_70 = arith.constant 0 : i32
    %dma_wait3A_71 = tpu.memref_slice %arg4[%add3A_65, %dma_wait3A_70] : memref<8192x768xf32, #tpu.memory_space<hbm>> -> memref<16x768xf32, #tpu.memory_space<hbm>>
    %dma_wait3A_72 = arith.constant 0 : i32
    %dma_wait3A_73 = tpu.memref_slice %arg4[%add3A_65, %dma_wait3A_72] : memref<8192x768xf32, #tpu.memory_space<hbm>> -> memref<16x768xf32, #tpu.memory_space<hbm>>
    tpu.wait_dma2 semaphore(%arg22 : memref<!tpu.dma_semaphore, #tpu.memory_space<semaphore_mem>>) src(%arg6 : memref<16x768xf32, #tpu.memory_space<vmem>>) dst(%dma_wait3A_73 : memref<16x768xf32, #tpu.memory_space<hbm>>)
    %dma_start3A_74 = arith.constant 8 : i32
    %dma_start3A_75 = arith.constant 0 : i32
    %dma_start3A_76 = tpu.memref_slice %arg5[%dma_start3A_74, %dma_start3A_75] : memref<16x16xi32, #tpu.memory_space<vmem>> -> memref<1x16xi32, #tpu.memory_space<vmem>>
    %dma_start3A_77 = tpu.memref_squeeze %dma_start3A_76 : memref<1x16xi32, #tpu.memory_space<vmem>> -> memref<16xi32, #tpu.memory_space<vmem>>
    %dma_start3A_78 = arith.constant 0 : i32
    %dma_start3A_79 = arith.constant 0 : i32
    %dma_start3A_80 = tpu.memref_slice %arg3[%dma_start3A_78, %dma_start3A_79] : memref<100000x768xf32, #tpu.memory_space<hbm>> -> memref<100000x768xf32, #tpu.memory_space<hbm>>
    tpu.enqueue_indirect_dma source(%dma_start3A_80 : memref<100000x768xf32, #tpu.memory_space<hbm>>) target(%arg6 : memref<16x768xf32, #tpu.memory_space<vmem>>) offsets(%dma_start3A_77 : memref<16xi32, #tpu.memory_space<vmem>>) semaphore(%arg14 : memref<!tpu.dma_semaphore, #tpu.memory_space<semaphore_mem>>)
    %dma_wait3A_81 = arith.constant 1 : i32
    %dma_wait3A_82 = arith.constant 0 : i32
    %dma_wait3A_83 = tpu.memref_slice %arg5[%dma_wait3A_81, %dma_wait3A_82] : memref<16x16xi32, #tpu.memory_space<vmem>> -> memref<1x16xi32, #tpu.memory_space<vmem>>
    %dma_wait3A_84 = tpu.memref_squeeze %dma_wait3A_83 : memref<1x16xi32, #tpu.memory_space<vmem>> -> memref<16xi32, #tpu.memory_space<vmem>>
    %dma_wait3A_85 = arith.constant 0 : i32
    %dma_wait3A_86 = arith.constant 0 : i32
    %dma_wait3A_87 = tpu.memref_slice %arg3[%dma_wait3A_85, %dma_wait3A_86] : memref<100000x768xf32, #tpu.memory_space<hbm>> -> memref<100000x768xf32, #tpu.memory_space<hbm>>
    tpu.wait_indirect_dma semaphore(%arg15 : memref<!tpu.dma_semaphore, #tpu.memory_space<semaphore_mem>>) src(%dma_wait3A_87 : memref<100000x768xf32, #tpu.memory_space<hbm>>) dst(%arg7 : memref<16x768xf32, #tpu.memory_space<vmem>>)
    %add3A_88 = arith.constant 16 : i32
    %add3A_89 = arith.addi %mul3A_2, %add3A_88 : i32
    %dma_start3A_90 = arith.constant 0 : i32
    %dma_start3A_91 = tpu.memref_slice %arg4[%add3A_89, %dma_start3A_90] : memref<8192x768xf32, #tpu.memory_space<hbm>> -> memref<16x768xf32, #tpu.memory_space<hbm>>
    %dma_start3A_92 = arith.constant 0 : i32
    %dma_start3A_93 = tpu.memref_slice %arg4[%add3A_89, %dma_start3A_92] : memref<8192x768xf32, #tpu.memory_space<hbm>> -> memref<16x768xf32, #tpu.memory_space<hbm>>
    tpu.enqueue_dma source(%arg7 : memref<16x768xf32, #tpu.memory_space<vmem>>) target(%dma_start3A_93 : memref<16x768xf32, #tpu.memory_space<hbm>>) target_semaphore(%arg23 : memref<!tpu.dma_semaphore, #tpu.memory_space<semaphore_mem>>)
    %dma_wait3A_94 = arith.constant 0 : i32
    %dma_wait3A_95 = tpu.memref_slice %arg4[%add3A_89, %dma_wait3A_94] : memref<8192x768xf32, #tpu.memory_space<hbm>> -> memref<16x768xf32, #tpu.memory_space<hbm>>
    %dma_wait3A_96 = arith.constant 0 : i32
    %dma_wait3A_97 = tpu.memref_slice %arg4[%add3A_89, %dma_wait3A_96] : memref<8192x768xf32, #tpu.memory_space<hbm>> -> memref<16x768xf32, #tpu.memory_space<hbm>>
    tpu.wait_dma2 semaphore(%arg23 : memref<!tpu.dma_semaphore, #tpu.memory_space<semaphore_mem>>) src(%arg7 : memref<16x768xf32, #tpu.memory_space<vmem>>) dst(%dma_wait3A_97 : memref<16x768xf32, #tpu.memory_space<hbm>>)
    %dma_start3A_98 = arith.constant 9 : i32
    %dma_start3A_99 = arith.constant 0 : i32
    %dma_start3A_100 = tpu.memref_slice %arg5[%dma_start3A_98, %dma_start3A_99] : memref<16x16xi32, #tpu.memory_space<vmem>> -> memref<1x16xi32, #tpu.memory_space<vmem>>
    %dma_start3A_101 = tpu.memref_squeeze %dma_start3A_100 : memref<1x16xi32, #tpu.memory_space<vmem>> -> memref<16xi32, #tpu.memory_space<vmem>>
    %dma_start3A_102 = arith.constant 0 : i32
    %dma_start3A_103 = arith.constant 0 : i32
    %dma_start3A_104 = tpu.memref_slice %arg3[%dma_start3A_102, %dma_start3A_103] : memref<100000x768xf32, #tpu.memory_space<hbm>> -> memref<100000x768xf32, #tpu.memory_space<hbm>>
    tpu.enqueue_indirect_dma source(%dma_start3A_104 : memref<100000x768xf32, #tpu.memory_space<hbm>>) target(%arg7 : memref<16x768xf32, #tpu.memory_space<vmem>>) offsets(%dma_start3A_101 : memref<16xi32, #tpu.memory_space<vmem>>) semaphore(%arg15 : memref<!tpu.dma_semaphore, #tpu.memory_space<semaphore_mem>>)
    %dma_wait3A_105 = arith.constant 2 : i32
    %dma_wait3A_106 = arith.constant 0 : i32
    %dma_wait3A_107 = tpu.memref_slice %arg5[%dma_wait3A_105, %dma_wait3A_106] : memref<16x16xi32, #tpu.memory_space<vmem>> -> memref<1x16xi32, #tpu.memory_space<vmem>>
    %dma_wait3A_108 = tpu.memref_squeeze %dma_wait3A_107 : memref<1x16xi32, #tpu.memory_space<vmem>> -> memref<16xi32, #tpu.memory_space<vmem>>
    %dma_wait3A_109 = arith.constant 0 : i32
    %dma_wait3A_110 = arith.constant 0 : i32
    %dma_wait3A_111 = tpu.memref_slice %arg3[%dma_wait3A_109, %dma_wait3A_110] : memref<100000x768xf32, #tpu.memory_space<hbm>> -> memref<100000x768xf32, #tpu.memory_space<hbm>>
    tpu.wait_indirect_dma semaphore(%arg16 : memref<!tpu.dma_semaphore, #tpu.memory_space<semaphore_mem>>) src(%dma_wait3A_111 : memref<100000x768xf32, #tpu.memory_space<hbm>>) dst(%arg8 : memref<16x768xf32, #tpu.memory_space<vmem>>)
    %add3A_112 = arith.constant 32 : i32
    %add3A_113 = arith.addi %mul3A_2, %add3A_112 : i32
    %dma_start3A_114 = arith.constant 0 : i32
    %dma_start3A_115 = tpu.memref_slice %arg4[%add3A_113, %dma_start3A_114] : memref<8192x768xf32, #tpu.memory_space<hbm>> -> memref<16x768xf32, #tpu.memory_space<hbm>>
    %dma_start3A_116 = arith.constant 0 : i32
    %dma_start3A_117 = tpu.memref_slice %arg4[%add3A_113, %dma_start3A_116] : memref<8192x768xf32, #tpu.memory_space<hbm>> -> memref<16x768xf32, #tpu.memory_space<hbm>>
    tpu.enqueue_dma source(%arg8 : memref<16x768xf32, #tpu.memory_space<vmem>>) target(%dma_start3A_117 : memref<16x768xf32, #tpu.memory_space<hbm>>) target_semaphore(%arg24 : memref<!tpu.dma_semaphore, #tpu.memory_space<semaphore_mem>>)
    %dma_wait3A_118 = arith.constant 0 : i32
    %dma_wait3A_119 = tpu.memref_slice %arg4[%add3A_113, %dma_wait3A_118] : memref<8192x768xf32, #tpu.memory_space<hbm>> -> memref<16x768xf32, #tpu.memory_space<hbm>>
    %dma_wait3A_120 = arith.constant 0 : i32
    %dma_wait3A_121 = tpu.memref_slice %arg4[%add3A_113, %dma_wait3A_120] : memref<8192x768xf32, #tpu.memory_space<hbm>> -> memref<16x768xf32, #tpu.memory_space<hbm>>
    tpu.wait_dma2 semaphore(%arg24 : memref<!tpu.dma_semaphore, #tpu.memory_space<semaphore_mem>>) src(%arg8 : memref<16x768xf32, #tpu.memory_space<vmem>>) dst(%dma_wait3A_121 : memref<16x768xf32, #tpu.memory_space<hbm>>)
    %dma_start3A_122 = arith.constant 10 : i32
    %dma_start3A_123 = arith.constant 0 : i32
    %dma_start3A_124 = tpu.memref_slice %arg5[%dma_start3A_122, %dma_start3A_123] : memref<16x16xi32, #tpu.memory_space<vmem>> -> memref<1x16xi32, #tpu.memory_space<vmem>>
    %dma_start3A_125 = tpu.memref_squeeze %dma_start3A_124 : memref<1x16xi32, #tpu.memory_space<vmem>> -> memref<16xi32, #tpu.memory_space<vmem>>
    %dma_start3A_126 = arith.constant 0 : i32
    %dma_start3A_127 = arith.constant 0 : i32
    %dma_start3A_128 = tpu.memref_slice %arg3[%dma_start3A_126, %dma_start3A_127] : memref<100000x768xf32, #tpu.memory_space<hbm>> -> memref<100000x768xf32, #tpu.memory_space<hbm>>
    tpu.enqueue_indirect_dma source(%dma_start3A_128 : memref<100000x768xf32, #tpu.memory_space<hbm>>) target(%arg8 : memref<16x768xf32, #tpu.memory_space<vmem>>) offsets(%dma_start3A_125 : memref<16xi32, #tpu.memory_space<vmem>>) semaphore(%arg16 : memref<!tpu.dma_semaphore, #tpu.memory_space<semaphore_mem>>)
    %dma_wait3A_129 = arith.constant 3 : i32
    %dma_wait3A_130 = arith.constant 0 : i32
    %dma_wait3A_131 = tpu.memref_slice %arg5[%dma_wait3A_129, %dma_wait3A_130] : memref<16x16xi32, #tpu.memory_space<vmem>> -> memref<1x16xi32, #tpu.memory_space<vmem>>
    %dma_wait3A_132 = tpu.memref_squeeze %dma_wait3A_131 : memref<1x16xi32, #tpu.memory_space<vmem>> -> memref<16xi32, #tpu.memory_space<vmem>>
    %dma_wait3A_133 = arith.constant 0 : i32
    %dma_wait3A_134 = arith.constant 0 : i32
    %dma_wait3A_135 = tpu.memref_slice %arg3[%dma_wait3A_133, %dma_wait3A_134] : memref<100000x768xf32, #tpu.memory_space<hbm>> -> memref<100000x768xf32, #tpu.memory_space<hbm>>
    tpu.wait_indirect_dma semaphore(%arg17 : memref<!tpu.dma_semaphore, #tpu.memory_space<semaphore_mem>>) src(%dma_wait3A_135 : memref<100000x768xf32, #tpu.memory_space<hbm>>) dst(%arg9 : memref<16x768xf32, #tpu.memory_space<vmem>>)
    %add3A_136 = arith.constant 48 : i32
    %add3A_137 = arith.addi %mul3A_2, %add3A_136 : i32
    %dma_start3A_138 = arith.constant 0 : i32
    %dma_start3A_139 = tpu.memref_slice %arg4[%add3A_137, %dma_start3A_138] : memref<8192x768xf32, #tpu.memory_space<hbm>> -> memref<16x768xf32, #tpu.memory_space<hbm>>
    %dma_start3A_140 = arith.constant 0 : i32
    %dma_start3A_141 = tpu.memref_slice %arg4[%add3A_137, %dma_start3A_140] : memref<8192x768xf32, #tpu.memory_space<hbm>> -> memref<16x768xf32, #tpu.memory_space<hbm>>
    tpu.enqueue_dma source(%arg9 : memref<16x768xf32, #tpu.memory_space<vmem>>) target(%dma_start3A_141 : memref<16x768xf32, #tpu.memory_space<hbm>>) target_semaphore(%arg25 : memref<!tpu.dma_semaphore, #tpu.memory_space<semaphore_mem>>)
    %dma_wait3A_142 = arith.constant 0 : i32
    %dma_wait3A_143 = tpu.memref_slice %arg4[%add3A_137, %dma_wait3A_142] : memref<8192x768xf32, #tpu.memory_space<hbm>> -> memref<16x768xf32, #tpu.memory_space<hbm>>
    %dma_wait3A_144 = arith.constant 0 : i32
    %dma_wait3A_145 = tpu.memref_slice %arg4[%add3A_137, %dma_wait3A_144] : memref<8192x768xf32, #tpu.memory_space<hbm>> -> memref<16x768xf32, #tpu.memory_space<hbm>>
    tpu.wait_dma2 semaphore(%arg25 : memref<!tpu.dma_semaphore, #tpu.memory_space<semaphore_mem>>) src(%arg9 : memref<16x768xf32, #tpu.memory_space<vmem>>) dst(%dma_wait3A_145 : memref<16x768xf32, #tpu.memory_space<hbm>>)
    %dma_start3A_146 = arith.constant 11 : i32
    %dma_start3A_147 = arith.constant 0 : i32
    %dma_start3A_148 = tpu.memref_slice %arg5[%dma_start3A_146, %dma_start3A_147] : memref<16x16xi32, #tpu.memory_space<vmem>> -> memref<1x16xi32, #tpu.memory_space<vmem>>
    %dma_start3A_149 = tpu.memref_squeeze %dma_start3A_148 : memref<1x16xi32, #tpu.memory_space<vmem>> -> memref<16xi32, #tpu.memory_space<vmem>>
    %dma_start3A_150 = arith.constant 0 : i32
    %dma_start3A_151 = arith.constant 0 : i32
    %dma_start3A_152 = tpu.memref_slice %arg3[%dma_start3A_150, %dma_start3A_151] : memref<100000x768xf32, #tpu.memory_space<hbm>> -> memref<100000x768xf32, #tpu.memory_space<hbm>>
    tpu.enqueue_indirect_dma source(%dma_start3A_152 : memref<100000x768xf32, #tpu.memory_space<hbm>>) target(%arg9 : memref<16x768xf32, #tpu.memory_space<vmem>>) offsets(%dma_start3A_149 : memref<16xi32, #tpu.memory_space<vmem>>) semaphore(%arg17 : memref<!tpu.dma_semaphore, #tpu.memory_space<semaphore_mem>>)
    %dma_wait3A_153 = arith.constant 4 : i32
    %dma_wait3A_154 = arith.constant 0 : i32
    %dma_wait3A_155 = tpu.memref_slice %arg5[%dma_wait3A_153, %dma_wait3A_154] : memref<16x16xi32, #tpu.memory_space<vmem>> -> memref<1x16xi32, #tpu.memory_space<vmem>>
    %dma_wait3A_156 = tpu.memref_squeeze %dma_wait3A_155 : memref<1x16xi32, #tpu.memory_space<vmem>> -> memref<16xi32, #tpu.memory_space<vmem>>
    %dma_wait3A_157 = arith.constant 0 : i32
    %dma_wait3A_158 = arith.constant 0 : i32
    %dma_wait3A_159 = tpu.memref_slice %arg3[%dma_wait3A_157, %dma_wait3A_158] : memref<100000x768xf32, #tpu.memory_space<hbm>> -> memref<100000x768xf32, #tpu.memory_space<hbm>>
    tpu.wait_indirect_dma semaphore(%arg18 : memref<!tpu.dma_semaphore, #tpu.memory_space<semaphore_mem>>) src(%dma_wait3A_159 : memref<100000x768xf32, #tpu.memory_space<hbm>>) dst(%arg10 : memref<16x768xf32, #tpu.memory_space<vmem>>)
    %add3A_160 = arith.constant 64 : i32
    %add3A_161 = arith.addi %mul3A_2, %add3A_160 : i32
    %dma_start3A_162 = arith.constant 0 : i32
    %dma_start3A_163 = tpu.memref_slice %arg4[%add3A_161, %dma_start3A_162] : memref<8192x768xf32, #tpu.memory_space<hbm>> -> memref<16x768xf32, #tpu.memory_space<hbm>>
    %dma_start3A_164 = arith.constant 0 : i32
    %dma_start3A_165 = tpu.memref_slice %arg4[%add3A_161, %dma_start3A_164] : memref<8192x768xf32, #tpu.memory_space<hbm>> -> memref<16x768xf32, #tpu.memory_space<hbm>>
    tpu.enqueue_dma source(%arg10 : memref<16x768xf32, #tpu.memory_space<vmem>>) target(%dma_start3A_165 : memref<16x768xf32, #tpu.memory_space<hbm>>) target_semaphore(%arg26 : memref<!tpu.dma_semaphore, #tpu.memory_space<semaphore_mem>>)
    %dma_wait3A_166 = arith.constant 0 : i32
    %dma_wait3A_167 = tpu.memref_slice %arg4[%add3A_161, %dma_wait3A_166] : memref<8192x768xf32, #tpu.memory_space<hbm>> -> memref<16x768xf32, #tpu.memory_space<hbm>>
    %dma_wait3A_168 = arith.constant 0 : i32
    %dma_wait3A_169 = tpu.memref_slice %arg4[%add3A_161, %dma_wait3A_168] : memref<8192x768xf32, #tpu.memory_space<hbm>> -> memref<16x768xf32, #tpu.memory_space<hbm>>
    tpu.wait_dma2 semaphore(%arg26 : memref<!tpu.dma_semaphore, #tpu.memory_space<semaphore_mem>>) src(%arg10 : memref<16x768xf32, #tpu.memory_space<vmem>>) dst(%dma_wait3A_169 : memref<16x768xf32, #tpu.memory_space<hbm>>)
    %dma_start3A_170 = arith.constant 12 : i32
    %dma_start3A_171 = arith.constant 0 : i32
    %dma_start3A_172 = tpu.memref_slice %arg5[%dma_start3A_170, %dma_start3A_171] : memref<16x16xi32, #tpu.memory_space<vmem>> -> memref<1x16xi32, #tpu.memory_space<vmem>>
    %dma_start3A_173 = tpu.memref_squeeze %dma_start3A_172 : memref<1x16xi32, #tpu.memory_space<vmem>> -> memref<16xi32, #tpu.memory_space<vmem>>
    %dma_start3A_174 = arith.constant 0 : i32
    %dma_start3A_175 = arith.constant 0 : i32
    %dma_start3A_176 = tpu.memref_slice %arg3[%dma_start3A_174, %dma_start3A_175] : memref<100000x768xf32, #tpu.memory_space<hbm>> -> memref<100000x768xf32, #tpu.memory_space<hbm>>
    tpu.enqueue_indirect_dma source(%dma_start3A_176 : memref<100000x768xf32, #tpu.memory_space<hbm>>) target(%arg10 : memref<16x768xf32, #tpu.memory_space<vmem>>) offsets(%dma_start3A_173 : memref<16xi32, #tpu.memory_space<vmem>>) semaphore(%arg18 : memref<!tpu.dma_semaphore, #tpu.memory_space<semaphore_mem>>)
    %dma_wait3A_177 = arith.constant 5 : i32
    %dma_wait3A_178 = arith.constant 0 : i32
    %dma_wait3A_179 = tpu.memref_slice %arg5[%dma_wait3A_177, %dma_wait3A_178] : memref<16x16xi32, #tpu.memory_space<vmem>> -> memref<1x16xi32, #tpu.memory_space<vmem>>
    %dma_wait3A_180 = tpu.memref_squeeze %dma_wait3A_179 : memref<1x16xi32, #tpu.memory_space<vmem>> -> memref<16xi32, #tpu.memory_space<vmem>>
    %dma_wait3A_181 = arith.constant 0 : i32
    %dma_wait3A_182 = arith.constant 0 : i32
    %dma_wait3A_183 = tpu.memref_slice %arg3[%dma_wait3A_181, %dma_wait3A_182] : memref<100000x768xf32, #tpu.memory_space<hbm>> -> memref<100000x768xf32, #tpu.memory_space<hbm>>
    tpu.wait_indirect_dma semaphore(%arg19 : memref<!tpu.dma_semaphore, #tpu.memory_space<semaphore_mem>>) src(%dma_wait3A_183 : memref<100000x768xf32, #tpu.memory_space<hbm>>) dst(%arg11 : memref<16x768xf32, #tpu.memory_space<vmem>>)
    %add3A_184 = arith.constant 80 : i32
    %add3A_185 = arith.addi %mul3A_2, %add3A_184 : i32
    %dma_start3A_186 = arith.constant 0 : i32
    %dma_start3A_187 = tpu.memref_slice %arg4[%add3A_185, %dma_start3A_186] : memref<8192x768xf32, #tpu.memory_space<hbm>> -> memref<16x768xf32, #tpu.memory_space<hbm>>
    %dma_start3A_188 = arith.constant 0 : i32
    %dma_start3A_189 = tpu.memref_slice %arg4[%add3A_185, %dma_start3A_188] : memref<8192x768xf32, #tpu.memory_space<hbm>> -> memref<16x768xf32, #tpu.memory_space<hbm>>
    tpu.enqueue_dma source(%arg11 : memref<16x768xf32, #tpu.memory_space<vmem>>) target(%dma_start3A_189 : memref<16x768xf32, #tpu.memory_space<hbm>>) target_semaphore(%arg27 : memref<!tpu.dma_semaphore, #tpu.memory_space<semaphore_mem>>)
    %dma_wait3A_190 = arith.constant 0 : i32
    %dma_wait3A_191 = tpu.memref_slice %arg4[%add3A_185, %dma_wait3A_190] : memref<8192x768xf32, #tpu.memory_space<hbm>> -> memref<16x768xf32, #tpu.memory_space<hbm>>
    %dma_wait3A_192 = arith.constant 0 : i32
    %dma_wait3A_193 = tpu.memref_slice %arg4[%add3A_185, %dma_wait3A_192] : memref<8192x768xf32, #tpu.memory_space<hbm>> -> memref<16x768xf32, #tpu.memory_space<hbm>>
    tpu.wait_dma2 semaphore(%arg27 : memref<!tpu.dma_semaphore, #tpu.memory_space<semaphore_mem>>) src(%arg11 : memref<16x768xf32, #tpu.memory_space<vmem>>) dst(%dma_wait3A_193 : memref<16x768xf32, #tpu.memory_space<hbm>>)
    %dma_start3A_194 = arith.constant 13 : i32
    %dma_start3A_195 = arith.constant 0 : i32
    %dma_start3A_196 = tpu.memref_slice %arg5[%dma_start3A_194, %dma_start3A_195] : memref<16x16xi32, #tpu.memory_space<vmem>> -> memref<1x16xi32, #tpu.memory_space<vmem>>
    %dma_start3A_197 = tpu.memref_squeeze %dma_start3A_196 : memref<1x16xi32, #tpu.memory_space<vmem>> -> memref<16xi32, #tpu.memory_space<vmem>>
    %dma_start3A_198 = arith.constant 0 : i32
    %dma_start3A_199 = arith.constant 0 : i32
    %dma_start3A_200 = tpu.memref_slice %arg3[%dma_start3A_198, %dma_start3A_199] : memref<100000x768xf32, #tpu.memory_space<hbm>> -> memref<100000x768xf32, #tpu.memory_space<hbm>>
    tpu.enqueue_indirect_dma source(%dma_start3A_200 : memref<100000x768xf32, #tpu.memory_space<hbm>>) target(%arg11 : memref<16x768xf32, #tpu.memory_space<vmem>>) offsets(%dma_start3A_197 : memref<16xi32, #tpu.memory_space<vmem>>) semaphore(%arg19 : memref<!tpu.dma_semaphore, #tpu.memory_space<semaphore_mem>>)
    %dma_wait3A_201 = arith.constant 6 : i32
    %dma_wait3A_202 = arith.constant 0 : i32
    %dma_wait3A_203 = tpu.memref_slice %arg5[%dma_wait3A_201, %dma_wait3A_202] : memref<16x16xi32, #tpu.memory_space<vmem>> -> memref<1x16xi32, #tpu.memory_space<vmem>>
    %dma_wait3A_204 = tpu.memref_squeeze %dma_wait3A_203 : memref<1x16xi32, #tpu.memory_space<vmem>> -> memref<16xi32, #tpu.memory_space<vmem>>
    %dma_wait3A_205 = arith.constant 0 : i32
    %dma_wait3A_206 = arith.constant 0 : i32
    %dma_wait3A_207 = tpu.memref_slice %arg3[%dma_wait3A_205, %dma_wait3A_206] : memref<100000x768xf32, #tpu.memory_space<hbm>> -> memref<100000x768xf32, #tpu.memory_space<hbm>>
    tpu.wait_indirect_dma semaphore(%arg20 : memref<!tpu.dma_semaphore, #tpu.memory_space<semaphore_mem>>) src(%dma_wait3A_207 : memref<100000x768xf32, #tpu.memory_space<hbm>>) dst(%arg12 : memref<16x768xf32, #tpu.memory_space<vmem>>)
    %add3A_208 = arith.constant 96 : i32
    %add3A_209 = arith.addi %mul3A_2, %add3A_208 : i32
    %dma_start3A_210 = arith.constant 0 : i32
    %dma_start3A_211 = tpu.memref_slice %arg4[%add3A_209, %dma_start3A_210] : memref<8192x768xf32, #tpu.memory_space<hbm>> -> memref<16x768xf32, #tpu.memory_space<hbm>>
    %dma_start3A_212 = arith.constant 0 : i32
    %dma_start3A_213 = tpu.memref_slice %arg4[%add3A_209, %dma_start3A_212] : memref<8192x768xf32, #tpu.memory_space<hbm>> -> memref<16x768xf32, #tpu.memory_space<hbm>>
    tpu.enqueue_dma source(%arg12 : memref<16x768xf32, #tpu.memory_space<vmem>>) target(%dma_start3A_213 : memref<16x768xf32, #tpu.memory_space<hbm>>) target_semaphore(%arg28 : memref<!tpu.dma_semaphore, #tpu.memory_space<semaphore_mem>>)
    %dma_wait3A_214 = arith.constant 0 : i32
    %dma_wait3A_215 = tpu.memref_slice %arg4[%add3A_209, %dma_wait3A_214] : memref<8192x768xf32, #tpu.memory_space<hbm>> -> memref<16x768xf32, #tpu.memory_space<hbm>>
    %dma_wait3A_216 = arith.constant 0 : i32
    %dma_wait3A_217 = tpu.memref_slice %arg4[%add3A_209, %dma_wait3A_216] : memref<8192x768xf32, #tpu.memory_space<hbm>> -> memref<16x768xf32, #tpu.memory_space<hbm>>
    tpu.wait_dma2 semaphore(%arg28 : memref<!tpu.dma_semaphore, #tpu.memory_space<semaphore_mem>>) src(%arg12 : memref<16x768xf32, #tpu.memory_space<vmem>>) dst(%dma_wait3A_217 : memref<16x768xf32, #tpu.memory_space<hbm>>)
    %dma_start3A_218 = arith.constant 14 : i32
    %dma_start3A_219 = arith.constant 0 : i32
    %dma_start3A_220 = tpu.memref_slice %arg5[%dma_start3A_218, %dma_start3A_219] : memref<16x16xi32, #tpu.memory_space<vmem>> -> memref<1x16xi32, #tpu.memory_space<vmem>>
    %dma_start3A_221 = tpu.memref_squeeze %dma_start3A_220 : memref<1x16xi32, #tpu.memory_space<vmem>> -> memref<16xi32, #tpu.memory_space<vmem>>
    %dma_start3A_222 = arith.constant 0 : i32
    %dma_start3A_223 = arith.constant 0 : i32
    %dma_start3A_224 = tpu.memref_slice %arg3[%dma_start3A_222, %dma_start3A_223] : memref<100000x768xf32, #tpu.memory_space<hbm>> -> memref<100000x768xf32, #tpu.memory_space<hbm>>
    tpu.enqueue_indirect_dma source(%dma_start3A_224 : memref<100000x768xf32, #tpu.memory_space<hbm>>) target(%arg12 : memref<16x768xf32, #tpu.memory_space<vmem>>) offsets(%dma_start3A_221 : memref<16xi32, #tpu.memory_space<vmem>>) semaphore(%arg20 : memref<!tpu.dma_semaphore, #tpu.memory_space<semaphore_mem>>)
    %dma_wait3A_225 = arith.constant 7 : i32
    %dma_wait3A_226 = arith.constant 0 : i32
    %dma_wait3A_227 = tpu.memref_slice %arg5[%dma_wait3A_225, %dma_wait3A_226] : memref<16x16xi32, #tpu.memory_space<vmem>> -> memref<1x16xi32, #tpu.memory_space<vmem>>
    %dma_wait3A_228 = tpu.memref_squeeze %dma_wait3A_227 : memref<1x16xi32, #tpu.memory_space<vmem>> -> memref<16xi32, #tpu.memory_space<vmem>>
    %dma_wait3A_229 = arith.constant 0 : i32
    %dma_wait3A_230 = arith.constant 0 : i32
    %dma_wait3A_231 = tpu.memref_slice %arg3[%dma_wait3A_229, %dma_wait3A_230] : memref<100000x768xf32, #tpu.memory_space<hbm>> -> memref<100000x768xf32, #tpu.memory_space<hbm>>
    tpu.wait_indirect_dma semaphore(%arg21 : memref<!tpu.dma_semaphore, #tpu.memory_space<semaphore_mem>>) src(%dma_wait3A_231 : memref<100000x768xf32, #tpu.memory_space<hbm>>) dst(%arg13 : memref<16x768xf32, #tpu.memory_space<vmem>>)
    %add3A_232 = arith.constant 112 : i32
    %add3A_233 = arith.addi %mul3A_2, %add3A_232 : i32
    %dma_start3A_234 = arith.constant 0 : i32
    %dma_start3A_235 = tpu.memref_slice %arg4[%add3A_233, %dma_start3A_234] : memref<8192x768xf32, #tpu.memory_space<hbm>> -> memref<16x768xf32, #tpu.memory_space<hbm>>
    %dma_start3A_236 = arith.constant 0 : i32
    %dma_start3A_237 = tpu.memref_slice %arg4[%add3A_233, %dma_start3A_236] : memref<8192x768xf32, #tpu.memory_space<hbm>> -> memref<16x768xf32, #tpu.memory_space<hbm>>
    tpu.enqueue_dma source(%arg13 : memref<16x768xf32, #tpu.memory_space<vmem>>) target(%dma_start3A_237 : memref<16x768xf32, #tpu.memory_space<hbm>>) target_semaphore(%arg29 : memref<!tpu.dma_semaphore, #tpu.memory_space<semaphore_mem>>)
    %dma_wait3A_238 = arith.constant 0 : i32
    %dma_wait3A_239 = tpu.memref_slice %arg4[%add3A_233, %dma_wait3A_238] : memref<8192x768xf32, #tpu.memory_space<hbm>> -> memref<16x768xf32, #tpu.memory_space<hbm>>
    %dma_wait3A_240 = arith.constant 0 : i32
    %dma_wait3A_241 = tpu.memref_slice %arg4[%add3A_233, %dma_wait3A_240] : memref<8192x768xf32, #tpu.memory_space<hbm>> -> memref<16x768xf32, #tpu.memory_space<hbm>>
    tpu.wait_dma2 semaphore(%arg29 : memref<!tpu.dma_semaphore, #tpu.memory_space<semaphore_mem>>) src(%arg13 : memref<16x768xf32, #tpu.memory_space<vmem>>) dst(%dma_wait3A_241 : memref<16x768xf32, #tpu.memory_space<hbm>>)
    %dma_start3A_242 = arith.constant 15 : i32
    %dma_start3A_243 = arith.constant 0 : i32
    %dma_start3A_244 = tpu.memref_slice %arg5[%dma_start3A_242, %dma_start3A_243] : memref<16x16xi32, #tpu.memory_space<vmem>> -> memref<1x16xi32, #tpu.memory_space<vmem>>
    %dma_start3A_245 = tpu.memref_squeeze %dma_start3A_244 : memref<1x16xi32, #tpu.memory_space<vmem>> -> memref<16xi32, #tpu.memory_space<vmem>>
    %dma_start3A_246 = arith.constant 0 : i32
    %dma_start3A_247 = arith.constant 0 : i32
    %dma_start3A_248 = tpu.memref_slice %arg3[%dma_start3A_246, %dma_start3A_247] : memref<100000x768xf32, #tpu.memory_space<hbm>> -> memref<100000x768xf32, #tpu.memory_space<hbm>>
    tpu.enqueue_indirect_dma source(%dma_start3A_248 : memref<100000x768xf32, #tpu.memory_space<hbm>>) target(%arg13 : memref<16x768xf32, #tpu.memory_space<vmem>>) offsets(%dma_start3A_245 : memref<16xi32, #tpu.memory_space<vmem>>) semaphore(%arg21 : memref<!tpu.dma_semaphore, #tpu.memory_space<semaphore_mem>>)
    %dma_wait3A_249 = arith.constant 8 : i32
    %dma_wait3A_250 = arith.constant 0 : i32
    %dma_wait3A_251 = tpu.memref_slice %arg5[%dma_wait3A_249, %dma_wait3A_250] : memref<16x16xi32, #tpu.memory_space<vmem>> -> memref<1x16xi32, #tpu.memory_space<vmem>>
    %dma_wait3A_252 = tpu.memref_squeeze %dma_wait3A_251 : memref<1x16xi32, #tpu.memory_space<vmem>> -> memref<16xi32, #tpu.memory_space<vmem>>
    %dma_wait3A_253 = arith.constant 0 : i32
    %dma_wait3A_254 = arith.constant 0 : i32
    %dma_wait3A_255 = tpu.memref_slice %arg3[%dma_wait3A_253, %dma_wait3A_254] : memref<100000x768xf32, #tpu.memory_space<hbm>> -> memref<100000x768xf32, #tpu.memory_space<hbm>>
    tpu.wait_indirect_dma semaphore(%arg14 : memref<!tpu.dma_semaphore, #tpu.memory_space<semaphore_mem>>) src(%dma_wait3A_255 : memref<100000x768xf32, #tpu.memory_space<hbm>>) dst(%arg6 : memref<16x768xf32, #tpu.memory_space<vmem>>)
    %add3A_256 = arith.constant 128 : i32
    %add3A_257 = arith.addi %mul3A_2, %add3A_256 : i32
    %dma_start3A_258 = arith.constant 0 : i32
    %dma_start3A_259 = tpu.memref_slice %arg4[%add3A_257, %dma_start3A_258] : memref<8192x768xf32, #tpu.memory_space<hbm>> -> memref<16x768xf32, #tpu.memory_space<hbm>>
    %dma_start3A_260 = arith.constant 0 : i32
    %dma_start3A_261 = tpu.memref_slice %arg4[%add3A_257, %dma_start3A_260] : memref<8192x768xf32, #tpu.memory_space<hbm>> -> memref<16x768xf32, #tpu.memory_space<hbm>>
    tpu.enqueue_dma source(%arg6 : memref<16x768xf32, #tpu.memory_space<vmem>>) target(%dma_start3A_261 : memref<16x768xf32, #tpu.memory_space<hbm>>) target_semaphore(%arg22 : memref<!tpu.dma_semaphore, #tpu.memory_space<semaphore_mem>>)
    %dma_wait3A_262 = arith.constant 9 : i32
    %dma_wait3A_263 = arith.constant 0 : i32
    %dma_wait3A_264 = tpu.memref_slice %arg5[%dma_wait3A_262, %dma_wait3A_263] : memref<16x16xi32, #tpu.memory_space<vmem>> -> memref<1x16xi32, #tpu.memory_space<vmem>>
    %dma_wait3A_265 = tpu.memref_squeeze %dma_wait3A_264 : memref<1x16xi32, #tpu.memory_space<vmem>> -> memref<16xi32, #tpu.memory_space<vmem>>
    %dma_wait3A_266 = arith.constant 0 : i32
    %dma_wait3A_267 = arith.constant 0 : i32
    %dma_wait3A_268 = tpu.memref_slice %arg3[%dma_wait3A_266, %dma_wait3A_267] : memref<100000x768xf32, #tpu.memory_space<hbm>> -> memref<100000x768xf32, #tpu.memory_space<hbm>>
    tpu.wait_indirect_dma semaphore(%arg15 : memref<!tpu.dma_semaphore, #tpu.memory_space<semaphore_mem>>) src(%dma_wait3A_268 : memref<100000x768xf32, #tpu.memory_space<hbm>>) dst(%arg7 : memref<16x768xf32, #tpu.memory_space<vmem>>)
    %add3A_269 = arith.constant 144 : i32
    %add3A_270 = arith.addi %mul3A_2, %add3A_269 : i32
    %dma_start3A_271 = arith.constant 0 : i32
    %dma_start3A_272 = tpu.memref_slice %arg4[%add3A_270, %dma_start3A_271] : memref<8192x768xf32, #tpu.memory_space<hbm>> -> memref<16x768xf32, #tpu.memory_space<hbm>>
    %dma_start3A_273 = arith.constant 0 : i32
    %dma_start3A_274 = tpu.memref_slice %arg4[%add3A_270, %dma_start3A_273] : memref<8192x768xf32, #tpu.memory_space<hbm>> -> memref<16x768xf32, #tpu.memory_space<hbm>>
    tpu.enqueue_dma source(%arg7 : memref<16x768xf32, #tpu.memory_space<vmem>>) target(%dma_start3A_274 : memref<16x768xf32, #tpu.memory_space<hbm>>) target_semaphore(%arg23 : memref<!tpu.dma_semaphore, #tpu.memory_space<semaphore_mem>>)
    %dma_wait3A_275 = arith.constant 10 : i32
    %dma_wait3A_276 = arith.constant 0 : i32
    %dma_wait3A_277 = tpu.memref_slice %arg5[%dma_wait3A_275, %dma_wait3A_276] : memref<16x16xi32, #tpu.memory_space<vmem>> -> memref<1x16xi32, #tpu.memory_space<vmem>>
    %dma_wait3A_278 = tpu.memref_squeeze %dma_wait3A_277 : memref<1x16xi32, #tpu.memory_space<vmem>> -> memref<16xi32, #tpu.memory_space<vmem>>
    %dma_wait3A_279 = arith.constant 0 : i32
    %dma_wait3A_280 = arith.constant 0 : i32
    %dma_wait3A_281 = tpu.memref_slice %arg3[%dma_wait3A_279, %dma_wait3A_280] : memref<100000x768xf32, #tpu.memory_space<hbm>> -> memref<100000x768xf32, #tpu.memory_space<hbm>>
    tpu.wait_indirect_dma semaphore(%arg16 : memref<!tpu.dma_semaphore, #tpu.memory_space<semaphore_mem>>) src(%dma_wait3A_281 : memref<100000x768xf32, #tpu.memory_space<hbm>>) dst(%arg8 : memref<16x768xf32, #tpu.memory_space<vmem>>)
    %add3A_282 = arith.constant 160 : i32
    %add3A_283 = arith.addi %mul3A_2, %add3A_282 : i32
    %dma_start3A_284 = arith.constant 0 : i32
    %dma_start3A_285 = tpu.memref_slice %arg4[%add3A_283, %dma_start3A_284] : memref<8192x768xf32, #tpu.memory_space<hbm>> -> memref<16x768xf32, #tpu.memory_space<hbm>>
    %dma_start3A_286 = arith.constant 0 : i32
    %dma_start3A_287 = tpu.memref_slice %arg4[%add3A_283, %dma_start3A_286] : memref<8192x768xf32, #tpu.memory_space<hbm>> -> memref<16x768xf32, #tpu.memory_space<hbm>>
    tpu.enqueue_dma source(%arg8 : memref<16x768xf32, #tpu.memory_space<vmem>>) target(%dma_start3A_287 : memref<16x768xf32, #tpu.memory_space<hbm>>) target_semaphore(%arg24 : memref<!tpu.dma_semaphore, #tpu.memory_space<semaphore_mem>>)
    %dma_wait3A_288 = arith.constant 11 : i32
    %dma_wait3A_289 = arith.constant 0 : i32
    %dma_wait3A_290 = tpu.memref_slice %arg5[%dma_wait3A_288, %dma_wait3A_289] : memref<16x16xi32, #tpu.memory_space<vmem>> -> memref<1x16xi32, #tpu.memory_space<vmem>>
    %dma_wait3A_291 = tpu.memref_squeeze %dma_wait3A_290 : memref<1x16xi32, #tpu.memory_space<vmem>> -> memref<16xi32, #tpu.memory_space<vmem>>
    %dma_wait3A_292 = arith.constant 0 : i32
    %dma_wait3A_293 = arith.constant 0 : i32
    %dma_wait3A_294 = tpu.memref_slice %arg3[%dma_wait3A_292, %dma_wait3A_293] : memref<100000x768xf32, #tpu.memory_space<hbm>> -> memref<100000x768xf32, #tpu.memory_space<hbm>>
    tpu.wait_indirect_dma semaphore(%arg17 : memref<!tpu.dma_semaphore, #tpu.memory_space<semaphore_mem>>) src(%dma_wait3A_294 : memref<100000x768xf32, #tpu.memory_space<hbm>>) dst(%arg9 : memref<16x768xf32, #tpu.memory_space<vmem>>)
    %add3A_295 = arith.constant 176 : i32
    %add3A_296 = arith.addi %mul3A_2, %add3A_295 : i32
    %dma_start3A_297 = arith.constant 0 : i32
    %dma_start3A_298 = tpu.memref_slice %arg4[%add3A_296, %dma_start3A_297] : memref<8192x768xf32, #tpu.memory_space<hbm>> -> memref<16x768xf32, #tpu.memory_space<hbm>>
    %dma_start3A_299 = arith.constant 0 : i32
    %dma_start3A_300 = tpu.memref_slice %arg4[%add3A_296, %dma_start3A_299] : memref<8192x768xf32, #tpu.memory_space<hbm>> -> memref<16x768xf32, #tpu.memory_space<hbm>>
    tpu.enqueue_dma source(%arg9 : memref<16x768xf32, #tpu.memory_space<vmem>>) target(%dma_start3A_300 : memref<16x768xf32, #tpu.memory_space<hbm>>) target_semaphore(%arg25 : memref<!tpu.dma_semaphore, #tpu.memory_space<semaphore_mem>>)
    %dma_wait3A_301 = arith.constant 12 : i32
    %dma_wait3A_302 = arith.constant 0 : i32
    %dma_wait3A_303 = tpu.memref_slice %arg5[%dma_wait3A_301, %dma_wait3A_302] : memref<16x16xi32, #tpu.memory_space<vmem>> -> memref<1x16xi32, #tpu.memory_space<vmem>>
    %dma_wait3A_304 = tpu.memref_squeeze %dma_wait3A_303 : memref<1x16xi32, #tpu.memory_space<vmem>> -> memref<16xi32, #tpu.memory_space<vmem>>
    %dma_wait3A_305 = arith.constant 0 : i32
    %dma_wait3A_306 = arith.constant 0 : i32
    %dma_wait3A_307 = tpu.memref_slice %arg3[%dma_wait3A_305, %dma_wait3A_306] : memref<100000x768xf32, #tpu.memory_space<hbm>> -> memref<100000x768xf32, #tpu.memory_space<hbm>>
    tpu.wait_indirect_dma semaphore(%arg18 : memref<!tpu.dma_semaphore, #tpu.memory_space<semaphore_mem>>) src(%dma_wait3A_307 : memref<100000x768xf32, #tpu.memory_space<hbm>>) dst(%arg10 : memref<16x768xf32, #tpu.memory_space<vmem>>)
    %add3A_308 = arith.constant 192 : i32
    %add3A_309 = arith.addi %mul3A_2, %add3A_308 : i32
    %dma_start3A_310 = arith.constant 0 : i32
    %dma_start3A_311 = tpu.memref_slice %arg4[%add3A_309, %dma_start3A_310] : memref<8192x768xf32, #tpu.memory_space<hbm>> -> memref<16x768xf32, #tpu.memory_space<hbm>>
    %dma_start3A_312 = arith.constant 0 : i32
    %dma_start3A_313 = tpu.memref_slice %arg4[%add3A_309, %dma_start3A_312] : memref<8192x768xf32, #tpu.memory_space<hbm>> -> memref<16x768xf32, #tpu.memory_space<hbm>>
    tpu.enqueue_dma source(%arg10 : memref<16x768xf32, #tpu.memory_space<vmem>>) target(%dma_start3A_313 : memref<16x768xf32, #tpu.memory_space<hbm>>) target_semaphore(%arg26 : memref<!tpu.dma_semaphore, #tpu.memory_space<semaphore_mem>>)
    %dma_wait3A_314 = arith.constant 13 : i32
    %dma_wait3A_315 = arith.constant 0 : i32
    %dma_wait3A_316 = tpu.memref_slice %arg5[%dma_wait3A_314, %dma_wait3A_315] : memref<16x16xi32, #tpu.memory_space<vmem>> -> memref<1x16xi32, #tpu.memory_space<vmem>>
    %dma_wait3A_317 = tpu.memref_squeeze %dma_wait3A_316 : memref<1x16xi32, #tpu.memory_space<vmem>> -> memref<16xi32, #tpu.memory_space<vmem>>
    %dma_wait3A_318 = arith.constant 0 : i32
    %dma_wait3A_319 = arith.constant 0 : i32
    %dma_wait3A_320 = tpu.memref_slice %arg3[%dma_wait3A_318, %dma_wait3A_319] : memref<100000x768xf32, #tpu.memory_space<hbm>> -> memref<100000x768xf32, #tpu.memory_space<hbm>>
    tpu.wait_indirect_dma semaphore(%arg19 : memref<!tpu.dma_semaphore, #tpu.memory_space<semaphore_mem>>) src(%dma_wait3A_320 : memref<100000x768xf32, #tpu.memory_space<hbm>>) dst(%arg11 : memref<16x768xf32, #tpu.memory_space<vmem>>)
    %add3A_321 = arith.constant 208 : i32
    %add3A_322 = arith.addi %mul3A_2, %add3A_321 : i32
    %dma_start3A_323 = arith.constant 0 : i32
    %dma_start3A_324 = tpu.memref_slice %arg4[%add3A_322, %dma_start3A_323] : memref<8192x768xf32, #tpu.memory_space<hbm>> -> memref<16x768xf32, #tpu.memory_space<hbm>>
    %dma_start3A_325 = arith.constant 0 : i32
    %dma_start3A_326 = tpu.memref_slice %arg4[%add3A_322, %dma_start3A_325] : memref<8192x768xf32, #tpu.memory_space<hbm>> -> memref<16x768xf32, #tpu.memory_space<hbm>>
    tpu.enqueue_dma source(%arg11 : memref<16x768xf32, #tpu.memory_space<vmem>>) target(%dma_start3A_326 : memref<16x768xf32, #tpu.memory_space<hbm>>) target_semaphore(%arg27 : memref<!tpu.dma_semaphore, #tpu.memory_space<semaphore_mem>>)
    %dma_wait3A_327 = arith.constant 14 : i32
    %dma_wait3A_328 = arith.constant 0 : i32
    %dma_wait3A_329 = tpu.memref_slice %arg5[%dma_wait3A_327, %dma_wait3A_328] : memref<16x16xi32, #tpu.memory_space<vmem>> -> memref<1x16xi32, #tpu.memory_space<vmem>>
    %dma_wait3A_330 = tpu.memref_squeeze %dma_wait3A_329 : memref<1x16xi32, #tpu.memory_space<vmem>> -> memref<16xi32, #tpu.memory_space<vmem>>
    %dma_wait3A_331 = arith.constant 0 : i32
    %dma_wait3A_332 = arith.constant 0 : i32
    %dma_wait3A_333 = tpu.memref_slice %arg3[%dma_wait3A_331, %dma_wait3A_332] : memref<100000x768xf32, #tpu.memory_space<hbm>> -> memref<100000x768xf32, #tpu.memory_space<hbm>>
    tpu.wait_indirect_dma semaphore(%arg20 : memref<!tpu.dma_semaphore, #tpu.memory_space<semaphore_mem>>) src(%dma_wait3A_333 : memref<100000x768xf32, #tpu.memory_space<hbm>>) dst(%arg12 : memref<16x768xf32, #tpu.memory_space<vmem>>)
    %add3A_334 = arith.constant 224 : i32
    %add3A_335 = arith.addi %mul3A_2, %add3A_334 : i32
    %dma_start3A_336 = arith.constant 0 : i32
    %dma_start3A_337 = tpu.memref_slice %arg4[%add3A_335, %dma_start3A_336] : memref<8192x768xf32, #tpu.memory_space<hbm>> -> memref<16x768xf32, #tpu.memory_space<hbm>>
    %dma_start3A_338 = arith.constant 0 : i32
    %dma_start3A_339 = tpu.memref_slice %arg4[%add3A_335, %dma_start3A_338] : memref<8192x768xf32, #tpu.memory_space<hbm>> -> memref<16x768xf32, #tpu.memory_space<hbm>>
    tpu.enqueue_dma source(%arg12 : memref<16x768xf32, #tpu.memory_space<vmem>>) target(%dma_start3A_339 : memref<16x768xf32, #tpu.memory_space<hbm>>) target_semaphore(%arg28 : memref<!tpu.dma_semaphore, #tpu.memory_space<semaphore_mem>>)
    %dma_wait3A_340 = arith.constant 15 : i32
    %dma_wait3A_341 = arith.constant 0 : i32
    %dma_wait3A_342 = tpu.memref_slice %arg5[%dma_wait3A_340, %dma_wait3A_341] : memref<16x16xi32, #tpu.memory_space<vmem>> -> memref<1x16xi32, #tpu.memory_space<vmem>>
    %dma_wait3A_343 = tpu.memref_squeeze %dma_wait3A_342 : memref<1x16xi32, #tpu.memory_space<vmem>> -> memref<16xi32, #tpu.memory_space<vmem>>
    %dma_wait3A_344 = arith.constant 0 : i32
    %dma_wait3A_345 = arith.constant 0 : i32
    %dma_wait3A_346 = tpu.memref_slice %arg3[%dma_wait3A_344, %dma_wait3A_345] : memref<100000x768xf32, #tpu.memory_space<hbm>> -> memref<100000x768xf32, #tpu.memory_space<hbm>>
    tpu.wait_indirect_dma semaphore(%arg21 : memref<!tpu.dma_semaphore, #tpu.memory_space<semaphore_mem>>) src(%dma_wait3A_346 : memref<100000x768xf32, #tpu.memory_space<hbm>>) dst(%arg13 : memref<16x768xf32, #tpu.memory_space<vmem>>)
    %add3A_347 = arith.constant 240 : i32
    %add3A_348 = arith.addi %mul3A_2, %add3A_347 : i32
    %dma_start3A_349 = arith.constant 0 : i32
    %dma_start3A_350 = tpu.memref_slice %arg4[%add3A_348, %dma_start3A_349] : memref<8192x768xf32, #tpu.memory_space<hbm>> -> memref<16x768xf32, #tpu.memory_space<hbm>>
    %dma_start3A_351 = arith.constant 0 : i32
    %dma_start3A_352 = tpu.memref_slice %arg4[%add3A_348, %dma_start3A_351] : memref<8192x768xf32, #tpu.memory_space<hbm>> -> memref<16x768xf32, #tpu.memory_space<hbm>>
    tpu.enqueue_dma source(%arg13 : memref<16x768xf32, #tpu.memory_space<vmem>>) target(%dma_start3A_352 : memref<16x768xf32, #tpu.memory_space<hbm>>) target_semaphore(%arg29 : memref<!tpu.dma_semaphore, #tpu.memory_space<semaphore_mem>>)
    %dma_wait3A_353 = arith.constant 0 : i32
    %dma_wait3A_354 = tpu.memref_slice %arg4[%add3A_257, %dma_wait3A_353] : memref<8192x768xf32, #tpu.memory_space<hbm>> -> memref<16x768xf32, #tpu.memory_space<hbm>>
    %dma_wait3A_355 = arith.constant 0 : i32
    %dma_wait3A_356 = tpu.memref_slice %arg4[%add3A_257, %dma_wait3A_355] : memref<8192x768xf32, #tpu.memory_space<hbm>> -> memref<16x768xf32, #tpu.memory_space<hbm>>
    tpu.wait_dma2 semaphore(%arg22 : memref<!tpu.dma_semaphore, #tpu.memory_space<semaphore_mem>>) src(%arg6 : memref<16x768xf32, #tpu.memory_space<vmem>>) dst(%dma_wait3A_356 : memref<16x768xf32, #tpu.memory_space<hbm>>)
    %dma_wait3A_357 = arith.constant 0 : i32
    %dma_wait3A_358 = tpu.memref_slice %arg4[%add3A_270, %dma_wait3A_357] : memref<8192x768xf32, #tpu.memory_space<hbm>> -> memref<16x768xf32, #tpu.memory_space<hbm>>
    %dma_wait3A_359 = arith.constant 0 : i32
    %dma_wait3A_360 = tpu.memref_slice %arg4[%add3A_270, %dma_wait3A_359] : memref<8192x768xf32, #tpu.memory_space<hbm>> -> memref<16x768xf32, #tpu.memory_space<hbm>>
    tpu.wait_dma2 semaphore(%arg23 : memref<!tpu.dma_semaphore, #tpu.memory_space<semaphore_mem>>) src(%arg7 : memref<16x768xf32, #tpu.memory_space<vmem>>) dst(%dma_wait3A_360 : memref<16x768xf32, #tpu.memory_space<hbm>>)
    %dma_wait3A_361 = arith.constant 0 : i32
    %dma_wait3A_362 = tpu.memref_slice %arg4[%add3A_283, %dma_wait3A_361] : memref<8192x768xf32, #tpu.memory_space<hbm>> -> memref<16x768xf32, #tpu.memory_space<hbm>>
    %dma_wait3A_363 = arith.constant 0 : i32
    %dma_wait3A_364 = tpu.memref_slice %arg4[%add3A_283, %dma_wait3A_363] : memref<8192x768xf32, #tpu.memory_space<hbm>> -> memref<16x768xf32, #tpu.memory_space<hbm>>
    tpu.wait_dma2 semaphore(%arg24 : memref<!tpu.dma_semaphore, #tpu.memory_space<semaphore_mem>>) src(%arg8 : memref<16x768xf32, #tpu.memory_space<vmem>>) dst(%dma_wait3A_364 : memref<16x768xf32, #tpu.memory_space<hbm>>)
    %dma_wait3A_365 = arith.constant 0 : i32
    %dma_wait3A_366 = tpu.memref_slice %arg4[%add3A_296, %dma_wait3A_365] : memref<8192x768xf32, #tpu.memory_space<hbm>> -> memref<16x768xf32, #tpu.memory_space<hbm>>
    %dma_wait3A_367 = arith.constant 0 : i32
    %dma_wait3A_368 = tpu.memref_slice %arg4[%add3A_296, %dma_wait3A_367] : memref<8192x768xf32, #tpu.memory_space<hbm>> -> memref<16x768xf32, #tpu.memory_space<hbm>>
    tpu.wait_dma2 semaphore(%arg25 : memref<!tpu.dma_semaphore, #tpu.memory_space<semaphore_mem>>) src(%arg9 : memref<16x768xf32, #tpu.memory_space<vmem>>) dst(%dma_wait3A_368 : memref<16x768xf32, #tpu.memory_space<hbm>>)
    %dma_wait3A_369 = arith.constant 0 : i32
    %dma_wait3A_370 = tpu.memref_slice %arg4[%add3A_309, %dma_wait3A_369] : memref<8192x768xf32, #tpu.memory_space<hbm>> -> memref<16x768xf32, #tpu.memory_space<hbm>>
    %dma_wait3A_371 = arith.constant 0 : i32
    %dma_wait3A_372 = tpu.memref_slice %arg4[%add3A_309, %dma_wait3A_371] : memref<8192x768xf32, #tpu.memory_space<hbm>> -> memref<16x768xf32, #tpu.memory_space<hbm>>
    tpu.wait_dma2 semaphore(%arg26 : memref<!tpu.dma_semaphore, #tpu.memory_space<semaphore_mem>>) src(%arg10 : memref<16x768xf32, #tpu.memory_space<vmem>>) dst(%dma_wait3A_372 : memref<16x768xf32, #tpu.memory_space<hbm>>)
    %dma_wait3A_373 = arith.constant 0 : i32
    %dma_wait3A_374 = tpu.memref_slice %arg4[%add3A_322, %dma_wait3A_373] : memref<8192x768xf32, #tpu.memory_space<hbm>> -> memref<16x768xf32, #tpu.memory_space<hbm>>
    %dma_wait3A_375 = arith.constant 0 : i32
    %dma_wait3A_376 = tpu.memref_slice %arg4[%add3A_322, %dma_wait3A_375] : memref<8192x768xf32, #tpu.memory_space<hbm>> -> memref<16x768xf32, #tpu.memory_space<hbm>>
    tpu.wait_dma2 semaphore(%arg27 : memref<!tpu.dma_semaphore, #tpu.memory_space<semaphore_mem>>) src(%arg11 : memref<16x768xf32, #tpu.memory_space<vmem>>) dst(%dma_wait3A_376 : memref<16x768xf32, #tpu.memory_space<hbm>>)
    %dma_wait3A_377 = arith.constant 0 : i32
    %dma_wait3A_378 = tpu.memref_slice %arg4[%add3A_335, %dma_wait3A_377] : memref<8192x768xf32, #tpu.memory_space<hbm>> -> memref<16x768xf32, #tpu.memory_space<hbm>>
    %dma_wait3A_379 = arith.constant 0 : i32
    %dma_wait3A_380 = tpu.memref_slice %arg4[%add3A_335, %dma_wait3A_379] : memref<8192x768xf32, #tpu.memory_space<hbm>> -> memref<16x768xf32, #tpu.memory_space<hbm>>
    tpu.wait_dma2 semaphore(%arg28 : memref<!tpu.dma_semaphore, #tpu.memory_space<semaphore_mem>>) src(%arg12 : memref<16x768xf32, #tpu.memory_space<vmem>>) dst(%dma_wait3A_380 : memref<16x768xf32, #tpu.memory_space<hbm>>)
    %dma_wait3A_381 = arith.constant 0 : i32
    %dma_wait3A_382 = tpu.memref_slice %arg4[%add3A_348, %dma_wait3A_381] : memref<8192x768xf32, #tpu.memory_space<hbm>> -> memref<16x768xf32, #tpu.memory_space<hbm>>
    %dma_wait3A_383 = arith.constant 0 : i32
    %dma_wait3A_384 = tpu.memref_slice %arg4[%add3A_348, %dma_wait3A_383] : memref<8192x768xf32, #tpu.memory_space<hbm>> -> memref<16x768xf32, #tpu.memory_space<hbm>>
    tpu.wait_dma2 semaphore(%arg29 : memref<!tpu.dma_semaphore, #tpu.memory_space<semaphore_mem>>) src(%arg13 : memref<16x768xf32, #tpu.memory_space<vmem>>) dst(%dma_wait3A_384 : memref<16x768xf32, #tpu.memory_space<hbm>>)
    return
  }
}

</mosaic_0001>

<sc_bundles>
// kernel: _embed.3.cloned.1.call-start
scs
__scs_entry_jumppad:
0x0: {  	(pc) =	sbr.rel $0x88, $3  }
0x1: {  	(tag) =	ssettag $0x0;
	lr =	simm.s32 $0x1  }
0x2: {  	[smem:$0x3F9F] =	sst lr;
	_ =	strace $0xD0000000  }
0x3: {  	_ = 	snop  }
0x4: {  	_ = 	snop  }
0x5: {  	_ = 	snop  }
0x6: {  	_ = 	snop  }
0x7: {  	_ = 	snop  }
__scs_overlays_trampoline_lowered:
0x8: {  	[smem:$0x3FAE] =	sst s0  }
0x9: {  	[smem:$0x3FAF] =	sst s1  }
0xa: {  	[smem:$0x3FB0] =	sst s2  }
0xb: {  	[smem:$0x3FB1] =	sst s3  }
0xc: {  	[smem:$0x3FB2] =	sst s4  }
0xd: {  	[smem:$0x3FB3] =	sst s5  }
0xe: {  	[smem:$0x3FB4] =	sst s6  }
0xf: {  	[smem:$0x3FB5] =	sst s7  }
0x10: {  	[smem:$0x3FB6] =	sst s8  }
0x11: {  	[smem:$0x3FB7] =	sst s9;
	s0 =	simm.s32 @!p0 $0x0  }
0x12: {  	s1 =	sld [smem:$0x3F9D];
	s0 =	simm.s32 @p0 $0x1  }
0x13: {  	[smem:$0x3FB8] =	sst s0;
	s0 =	simm.s32 @!p1 $0x0  }
0x14: {  	s2 =	sld [smem:$0x3F9C];
	s0 =	simm.s32 @p1 $0x1  }
0x15: {  	[smem:$0x3FB9] =	sst s0;
	s0 =	simm.s32 @!p2 $0x0  }
0x16: {  	s3 =	sld [smem:$0x3FDB];
	s0 =	simm.s32 @p2 $0x1  }
0x17: {  	s4 =	simm.s32 $0x1BF5;
	[smem:$0x3FBB] =	sst s0  }
0x18: {  	s0 =	sld [smem:$0x3F9E];
	_ =	swait.ge [sflag:s4], $0x0  }
0x19: {  	s7 =	sld [smem:$0x3F9F]  }
0x1a: {  	s8 =	sadd.s32 $0xFFFFE003, lr  }
0x1b: {  	s9 =	sadd.s32 $0xFFFFFEF7, lr;
	s5 =	simm.s32 $0xFFFFFFFF;
	p2 =	slt.u32 s8, $0xFFFFF086  }
0x1c: {  	p1 =	slt.u32 s9, $0xF7A;
	s5 =	simm.s32 @!p2 $0x0  }
0x1d: {  	s5 =	simm.s32 @p1 $0x1;
	p0 =	seq.s32 s7, s2  }
0x1e: {  	s7 =	smul.u32 @!p0 $0xF7A, s2;
	p2 =	seq.s32 @!p0 s5, $0x0  }
0x1f: {  	s9 =	smul.u32 $0xF7A, s1;
	s8 =	simm.s32 @!p0 $0x1BF5;
	p2 =	por !p2, p0  }
0x20: {  	[sflag:s8] =	ssyncset.s32 @!p0 $0xFFFFF086;
	s6 =	sadd.s32 @!p0 s3, s7;
	s7 =	simm.s32 @!p0 $0x108  }
0x21: {  	s3 =	sadd.s32 s3, s9;
	s6 =	sadd.s32 @!p0 $0x88, s6;
	s7 =	simm.s32 @p2 $0x1082  }
0x22: {  	[simem:s7], [sflag:s8] =	dma.local @!p0 [hbm:s6], $0xF7A  }
0x23: {  	s9 =	sor.u32 $0xD0000000, s2;
	s6 =	simm.s32 $0x108;
	_ =	swait.ge @!p0 [sflag:s8], $0x0  }
0x24: {  	s3 =	sadd.s32 $0x88, s3;
	s6 =	simm.s32 @!p1 $0x1082;
	[sflag:s4] =	ssyncset.s32 $0xFFFFF086  }
0x25: {  	[simem:s6], [sflag:s4] =	dma.local [hbm:s3], $0xF7A  }
0x26: {  	[smem:$0x3F9F] =	sst s1;
	(tag) =	ssettag s2;
	_ =	strace s9  }
0x27: {  	s1 =	sld [smem:$0x3FAF]  }
0x28: {  	s2 =	sld [smem:$0x3FB0]  }
0x29: {  	s4 =	sld [smem:$0x3FB2]  }
0x2a: {  	p0 =	seq.s32 s5, $0x0;
	s5 =	sld [smem:$0x3FB3]  }
0x2b: {  	s6 =	sld [smem:$0x3FB4]  }
0x2c: {  	s7 =	sld [smem:$0x3FB5]  }
0x2d: {  	s3 =	simm.s32 $0x108;
	s8 =	sld [smem:$0x3FB6]  }
0x2e: {  	s3 =	simm.s32 @!p0 $0x1082;
	s9 =	sld [smem:$0x3FB7]  }
0x2f: {  	lr =	sadd.s32 s0, s3;
	s0 =	sld [smem:$0x3FAE]  }
0x30: {  	s3 =	sld [smem:$0x3FB1]  }
0x31: {  	[smem:$0x3FBA] =	sst s10  }
0x32: {  	s10 =	sld [smem:$0x3FB8];
	_ =	sdelay $0x3  }
0x33: {  	p0 =	seq.s32 s10, $0x1;
	s10 =	sld [smem:$0x3FBA];
	_ =	sdelay $0x3  }
0x34: {  	[smem:$0x3FBA] =	sst s10  }
0x35: {  	s10 =	sld [smem:$0x3FB9];
	_ =	sdelay $0x3  }
0x36: {  	p1 =	seq.s32 s10, $0x1;
	s10 =	sld [smem:$0x3FBA];
	_ =	sdelay $0x3  }
0x37: {  	[smem:$0x3FBA] =	sst s10  }
0x38: {  	s10 =	sld [smem:$0x3FBB]  }
0x39: {  	_ = 	snop;
	(pc) =	sbr.ind lr, $3  }
0x3a: {  	_ = 	snop  }
0x3b: {  	_ = 	snop  }
0x3c: {  	p2 =	seq.s32 s10, $0x1;
	s10 =	sld [smem:$0x3FBA]  }
0x3d: {  	_ =	shalt  }
0x3e: {  	_ =	shalt  }
0x3f: {  	_ =	shalt  }
0x40: {  	_ =	shalt  }
0x41: {  	_ =	shalt  }
0x42: {  	_ =	shalt  }
0x43: {  	_ =	shalt  }
0x44: {  	_ =	shalt  }
0x45: {  	_ =	shalt  }
0x46: {  	_ =	shalt  }
0x47: {  	_ =	shalt  }
0x48: {  	_ =	shalt  }
0x49: {  	_ =	shalt  }
0x4a: {  	_ =	shalt  }
0x4b: {  	_ =	shalt  }
0x4c: {  	_ =	shalt  }
0x4d: {  	_ =	shalt  }
0x4e: {  	_ =	shalt  }
0x4f: {  	_ =	shalt  }
0x50: {  	_ =	shalt  }
0x51: {  	_ =	shalt  }
0x52: {  	_ =	shalt  }
0x53: {  	_ =	shalt  }
0x54: {  	_ =	shalt  }
0x55: {  	_ =	shalt  }
0x56: {  	_ =	shalt  }
0x57: {  	_ =	shalt  }
0x58: {  	_ =	shalt  }
0x59: {  	_ =	shalt  }
0x5a: {  	_ =	shalt  }
0x5b: {  	_ =	shalt  }
0x5c: {  	_ =	shalt  }
0x5d: {  	_ =	shalt  }
0x5e: {  	_ =	shalt  }
0x5f: {  	_ =	shalt  }
0x60: {  	_ =	shalt  }
0x61: {  	_ =	shalt  }
0x62: {  	_ =	shalt  }
0x63: {  	_ =	shalt  }
0x64: {  	_ =	shalt  }
0x65: {  	_ =	shalt  }
0x66: {  	_ =	shalt  }
0x67: {  	_ =	shalt  }
0x68: {  	_ =	shalt  }
0x69: {  	_ =	shalt  }
0x6a: {  	_ =	shalt  }
0x6b: {  	_ =	shalt  }
0x6c: {  	_ =	shalt  }
0x6d: {  	_ =	shalt  }
0x6e: {  	_ =	shalt  }
0x6f: {  	_ =	shalt  }
0x70: {  	_ =	shalt  }
0x71: {  	_ =	shalt  }
0x72: {  	_ =	shalt  }
0x73: {  	_ =	shalt  }
0x74: {  	_ =	shalt  }
0x75: {  	_ =	shalt  }
0x76: {  	_ =	shalt  }
0x77: {  	_ =	shalt  }
0x78: {  	_ =	shalt  }
0x79: {  	_ =	shalt  }
0x7a: {  	_ =	shalt  }
0x7b: {  	_ =	shalt  }
0x7c: {  	_ =	shalt  }
0x7d: {  	_ =	shalt  }
0x7e: {  	_ =	shalt  }
0x7f: {  	_ =	shalt  }
0x80: {  	_ =	shalt  }
0x81: {  	_ =	shalt  }
0x82: {  	_ =	shalt  }
0x83: {  	_ =	shalt  }
0x84: {  	_ =	shalt  }
0x85: {  	_ =	shalt  }
0x86: {  	_ =	shalt  }
0x87: {  	_ =	shalt  }
.Lfunc_end0:
.L_simem_size_0:
called_computation_lowered:
.L_overlay_start_0:
0x88: {  	s2 =	sld [smem:$0x3FD9]  }
0x89: {  	s3 =	sld [smem:$0x3FFE];
	_ =	sdelay $0x1  }
0x8a: {  	s1 =	srdreg.scid  }
0x8b: {  	s0 =	sand.u32 $0x1, s1  }
0x8c: {  	s17 =	sshll.u32 s0, $0xA;
	s2 =	sadd.s32 s3, s2  }
0x8d: {  	s2 =	sadd.s32 s2, s17  }
0x8e: {  	[smem:$0x3FC6] =	sst s2  }
0x8f: {  	_ = 	snop  }
0x90: {  	s2 =	sld [smem:$0x3FC8]  }
0x91: {  	s18 =	sld [smem:$0x3FD0];
	(tm) =	ssettm $0x1  }
0x92: {  	s4 =	sld [smem:$0x3FFB];
	_ =	sdelay $0x3  }
0x93: {  	_ =	strace s4  }
0x94: {  	s4 =	sld [smem:$0x3FFC];
	_ =	sdelay $0x3  }
0x95: {  	_ =	strace s4  }
0x96: {  	s4 =	sld [smem:$0x3FFD];
	_ =	sdelay $0x3  }
0x97: {  	_ =	strace s4  }
0x98: {  	_ =	strace $0x8FFFFFFF  }
0x99: {  	s19 =	sld [smem:$0x3FDB];
	_ =	sdelay $0x1  }
0x9a: {  	s5 =	simm.s32 $_scs_section_size  }
0x9b: {  	s6 =	simm.s32 $_size__tile_overlayer_lowered;
	s7 =	simm.s32 $_tile_overlayer_lowered  }
0x9c: {  	s22 =	simm.s32 $0x1BFF;
	s21 =	sshll.u32 s7, $0x1;
	s4 =	sadd.s32 s5, s19  }
0x9d: {  	s8 =	simm.s32 $0x0;
	s20 =	sshll.u32 s6, $0x1;
	s6 =	sadd.s32 s21, s4  }
0x9e: {  	[timem:s8], [sflag:s22] =	dma.local [hbm:s6], s20  }
0x9f: {  	_ =	swait.ge [sflag:s22], s20  }
0xa0: {  	s5 =	ssub.s32 $0x0, s20;
	[sflag:s22] =	ssyncset.done $0x0  }
0xa1: {  	[sflag:s22] =	ssyncadd.s32 s5;
	_ =	sdelay $0x1  }
0xa2: {  	s23 =	simm.s32 $0x1B8B  }
0xa3: {  	_ =	swait.ge [sflag:s23], $0x1  }
0xa4: {  	[sflag:s23] =	ssyncset.done $0x0  }
0xa5: {  	s25 =	simm.s32 $0x1B8E;
	s24 =	sld [smem:$0x3FFE];
	[sflag:s23] =	ssyncadd.s32 $0xFFFFFFFF  }
0xa6: {  	s26 =	simm.s32 $execute0_lowered;
	[smem:$0x3FD2] =	sst s25  }
0xa7: {  	s6 =	sshll.u32 s26, $0x1;
	_ =	strace $0x80000046;
	[dreg:$0x1] =	wrdreg $0xFFFFFFFF  }
0xa8: {  	s28 =	simm.s32 $_size_execute0_lowered;
	s4 =	sadd.s32 s4, s6;
	[dreg:$0x0] =	wrdreg $0x0  }
0xa9: {  	s6 =	sshll.u32 s28, $0x1;
	[dreg:$0x2] =	wrdreg s4  }
0xaa: {  	[dreg:$0x3] =	wrdreg s6  }
0xab: {  	[dreg:$0x4] =	wrdreg $0xC0  }
0xac: {  	_ =	task [dreg:s8], $0x5FFFF  }
0xad: {  	[dreg:$0x1] =	wrdreg $0xFFFFFFFF  }
0xae: {  	[dreg:$0x0] =	wrdreg $0x60  }
0xaf: {  	[dreg:$0x2] =	wrdreg s24  }
0xb0: {  	[dreg:$0x3] =	wrdreg s2  }
0xb1: {  	[dreg:$0x4] =	wrdreg s18  }
0xb2: {  	[dreg:$0x5] =	wrdreg $0x9  }
0xb3: {  	_ =	task.clear_ibuf [dreg:s8], $0x6FFFF;
	_ =	strace $0x90000046  }
0xb4: {  	s29 =	simm.s32 $0x9;
	_ =	strace $0x80000048  }
0xb5: {  	_ =	swait.ge [sflag:s29], $0x1  }
0xb6: {  	[sflag:s29] =	ssyncadd.s32 $0xFFFFFFFF  }
0xb7: {  	_ =	strace $0x90000048  }
0xb8: {  	_ =	sfence  }
0xb9: {  	s30 =	sld [smem:$0x0];
	_ =	sdelay $0x2  }
0xba: {  	s31 =	sshll.u32 s1, $0xD;
	s1 =	sshrl.u32 s1, $0x2  }
0xbb: {  	s3 =	sand.u32 $0x4000, s31;
	s1 =	sadd.s32 s1, s30  }
0xbc: {  	s0 =	sor.u32 s3, s0;
	s1 =	sshll.u32 s1, $0x11  }
0xbd: {  	s0 =	sor.u32 s1, s0  }
0xbe: {  	s0 =	sadd.s32 $0x8F2B, s0  }
0xbf: {  	[sflag:s0] =	ssyncadd.remote.s32 $0x1  }
0xc0: {  	_ =	sfence.sel $0xFFFF  }
0xc1: {  	[dreg:$0x0] =	wrdreg $0xFFFFFFFF;
	(pc) =	sbr.abs _section_cstart, $3  }
0xc2: {  	[dreg:$0x1] =	wrdreg $0xFFFFFFFF  }
0xc3: {  	_ =	task.clear_ibuf [dreg:s8], $0x2FFFF;
	_ =	strace $0x9FFFFFFF  }
0xc4: {  	(tm) =	ssettm $0x7FFFFFFF  }
0xc5: {  	_ =	shalt  }
tec
execute0_lowered:
.L_overlay_start_1:
0x0: {  	(tag) =	ssettag $0x1  }
0x1: {  	s1 =	srdreg.scid;
	s3 =	stileid.u32  }
0x2: {  	s0 =	rddreg [dreg:$0x0];
	s1 =	sand.u32 $0x1, s1;
	s3 =	sshll.u32 s3, $0x1  }
0x3: {  	s2 =	rddreg [dreg:$0x1];
	s5 =	sor.u32 s1, s3  }
0x4: {  	s4 =	rddreg [dreg:$0x2];
	s6 =	sshll.u32 s5, $0x8  }
0x5: {  	s3 =	simm.s32 $0x0;
	s7 =	smul.u32 $0x6000, s5;
	s0 =	sadd.s32 s6, s0  }
0x6: {  	[smem:$0x7FF] =	sst s3;
	s0 =	sadd.s32 $0x400, s0  }
0x7: {  	_ =	strace $0x80000047;
	s11 =	sadd.s32 s4, s7;
	[dreg:$0x4] =	wrdreg s0  }
0x8: {  	s12 =	sadd.s32 $0x600, s11;
	[dreg:$0x14] =	wrdreg s11  }
0x9: {  	s5 =	smul.u32 $0x30000, s5;
	s13 =	sadd.s32 $0xC00, s11;
	[dreg:$0x5] =	wrdreg s12  }
0xa: {  	s30 =	simm.s32 $0xA000;
	s14 =	sadd.s32 $0x1200, s11;
	[dreg:$0x6] =	wrdreg s13  }
0xb: {  	s5 =	sshrl.u32 s5, $0x3;
	s15 =	sadd.s32 $0x1800, s11;
	[dreg:$0x7] =	wrdreg s14  }
0xc: {  	s16 =	sadd.s32 $0x1E00, s11;
	s4 =	sadd.s32 s4, s5;
	[dreg:$0x8] =	wrdreg s15  }
0xd: {  	s31 =	simm.s32 $0xA800;
	[dreg:$0x9] =	wrdreg s16;
	s17 =	sadd.s32 $0x2400, s4  }
0xe: {  	s1 =	ssub.s32 $0x2, s1;
	s18 =	sadd.s32 $0x2A00, s4;
	[dreg:$0xa] =	wrdreg s17  }
0xf: {  	s25 =	sshrl.u32 s1, $0x1;
	s19 =	sadd.s32 $0x3000, s4;
	[dreg:$0xb] =	wrdreg s18  }
0x10: {  	s1 =	ssub.s32 s1, s25;
	s20 =	sadd.s32 $0x3600, s4;
	[dreg:$0xc] =	wrdreg s19  }
0x11: {  	s6 =	sadd.s32 $0x200, s2;
	s21 =	sadd.s32 $0x3C00, s4;
	[dreg:$0xd] =	wrdreg s20  }
0x12: {  	s29 =	smax.u32 s1, $0x1;
	s22 =	sadd.s32 $0x4200, s4;
	[dreg:$0xe] =	wrdreg s21  }
0x13: {  	s1 =	simm.s32 $0x9;
	s23 =	sadd.s32 $0x4800, s4;
	[dreg:$0xf] =	wrdreg s22  }
0x14: {  	s5 =	sadd.s32 $0x100, s2;
	s24 =	sadd.s32 $0x4E00, s4;
	[dreg:$0x10] =	wrdreg s23  }
0x15: {  	v2 =	vlaneseq.u32;
	s11 =	simm.s32 $0x12800;
	s26 =	sadd.s32 $0x5400, s4;
	[dreg:$0x11] =	wrdreg s24  }
0x16: {  	vm0 =	vmmov $0xffff;
	v1 =	vshrl.u32 v2, $0x3;
	s28 =	sadd.s32 $0x5A00, s4;
	s15 =	simm.s32 $0xC800;
	[dreg:$0x12] =	wrdreg s26  }
0x17: {  	v0 =	vand.u32 $0x7, v2;
	v2 =	vor.u32 $0x8, v2;
	v1 =	vmul.u32 $0x8, v1;
	s13 =	simm.s32 $0xF800;
	s4 =	simm.s32 $0x15800;
	[dreg:$0x13] =	wrdreg s28  }
.LBB2_1:
0x18: {  	s14 =	rddreg [dreg:$0x4];
	s8 =	simm.s32 $0x11  }
0x19: {  	[tilespmem:s3], [sflag:$0x11] =	stream.linear.gather [hbm4b:s14+s3], $0x800, $0x38;
	[tilespmem:$0x18800] =	vst v63  }
0x1a: {  	_ =	swait.ge [sflag:s8], $0x800  }
0x1b: {  	[sflag:s8] =	ssyncset.done $0x0  }
0x1c: {  	[sflag:s8] =	ssyncadd.s32 $0xFFFFF800  }
0x1d: {  	v3 =	vld [tilespmem:$0x0];
	_ =	sdelay $0x4  }
0x1e: {  	v4 =	vshrl.u32 v3, $0x3  }
0x1f: {  	v4 =	vmul.u32 $0x30, v4  }
0x20: {  	v3 =	vand.u32 $0x7, v3  }
0x21: {  	v3 =	vor.u32 v3, v4  }
0x22: {  	v4 =	vperm.xlane v3, v0;
	_ =	sdelay $0x1  }
0x23: {  	v4 =	vadd.s32 v1, v4;
	_ =	sdelay $0x3  }
0x24: {  	s0 =	simm.s32 $0x800;
	v3 =	vperm.xlane v3, v2  }
0x25: {  	[tilespmem:s0], [sflag:$0x1] =	stream.indirect_vreg.gather [hbm4b:s2+s3], $0x80, v4, vm0, $0xb8;
	[tilespmem:$0x18800] =	vst v63  }
0x26: {  	s8 =	simm.s32 $0x1000;
	v3 =	vadd.s32 v1, v3  }
0x27: {  	[tilespmem:s8], [sflag:$0x1] =	stream.indirect_vreg.gather [hbm4b:s5+s3], $0x80, v4, vm0, $0xb8;
	[tilespmem:$0x18800] =	vst v63  }
0x28: {  	s9 =	simm.s32 $0x1800  }
0x29: {  	[tilespmem:s9], [sflag:$0x1] =	stream.indirect_vreg.gather [hbm4b:s6+s3], $0x80, v4, vm0, $0xb8;
	[tilespmem:$0x18800] =	vst v63  }
0x2a: {  	s21 =	simm.s32 $0x2000  }
0x2b: {  	[tilespmem:s21], [sflag:$0x1] =	stream.indirect_vreg.gather [hbm4b:s2+s3], $0x80, v3, vm0, $0xb8;
	[tilespmem:$0x18800] =	vst v63  }
0x2c: {  	s28 =	simm.s32 $0x2800  }
0x2d: {  	[tilespmem:s28], [sflag:$0x1] =	stream.indirect_vreg.gather [hbm4b:s5+s3], $0x80, v3, vm0, $0xb8;
	[tilespmem:$0x18800] =	vst v63  }
0x2e: {  	s10 =	simm.s32 $0x3000  }
0x2f: {  	[tilespmem:s10], [sflag:$0x1] =	stream.indirect_vreg.gather [hbm4b:s6+s3], $0x80, v3, vm0, $0xb8;
	[tilespmem:$0x18800] =	vst v63  }
0x30: {  	v3 =	vld [tilespmem:$0x80];
	_ =	sdelay $0x4  }
0x31: {  	v49 =	vshrl.u32 v3, $0x3  }
0x32: {  	v4 =	vmul.u32 $0x30, v49  }
0x33: {  	v3 =	vand.u32 $0x7, v3  }
0x34: {  	v3 =	vor.u32 v3, v4  }
0x35: {  	v4 =	vperm.xlane v3, v0;
	_ =	sdelay $0x1  }
0x36: {  	v4 =	vadd.s32 v1, v4;
	_ =	sdelay $0x3  }
0x37: {  	s26 =	simm.s32 $0x3800;
	v3 =	vperm.xlane v3, v2  }
0x38: {  	[tilespmem:s26], [sflag:$0x2] =	stream.indirect_vreg.gather [hbm4b:s2+s3], $0x80, v4, vm0, $0xb8;
	[tilespmem:$0x18800] =	vst v63  }
0x39: {  	s24 =	simm.s32 $0x4000;
	v3 =	vadd.s32 v1, v3  }
0x3a: {  	[tilespmem:s24], [sflag:$0x2] =	stream.indirect_vreg.gather [hbm4b:s5+s3], $0x80, v4, vm0, $0xb8;
	[tilespmem:$0x18800] =	vst v63  }
0x3b: {  	s12 =	simm.s32 $0x4800  }
0x3c: {  	[tilespmem:s12], [sflag:$0x2] =	stream.indirect_vreg.gather [hbm4b:s6+s3], $0x80, v4, vm0, $0xb8;
	[tilespmem:$0x18800] =	vst v63  }
0x3d: {  	s16 =	simm.s32 $0x5000  }
0x3e: {  	[tilespmem:s16], [sflag:$0x2] =	stream.indirect_vreg.gather [hbm4b:s2+s3], $0x80, v3, vm0, $0xb8;
	[tilespmem:$0x18800] =	vst v63  }
0x3f: {  	s18 =	simm.s32 $0x5800  }
0x40: {  	[tilespmem:s18], [sflag:$0x2] =	stream.indirect_vreg.gather [hbm4b:s5+s3], $0x80, v3, vm0, $0xb8;
	[tilespmem:$0x18800] =	vst v63  }
0x41: {  	s19 =	simm.s32 $0x6000  }
0x42: {  	[tilespmem:s19], [sflag:$0x2] =	stream.indirect_vreg.gather [hbm4b:s6+s3], $0x80, v3, vm0, $0xb8;
	[tilespmem:$0x18800] =	vst v63  }
0x43: {  	v3 =	vld [tilespmem:$0x100];
	_ =	sdelay $0x4  }
0x44: {  	v50 =	vshrl.u32 v3, $0x3  }
0x45: {  	v4 =	vmul.u32 $0x30, v50  }
0x46: {  	v3 =	vand.u32 $0x7, v3  }
0x47: {  	v3 =	vor.u32 v3, v4  }
0x48: {  	v4 =	vperm.xlane v3, v0;
	_ =	sdelay $0x1  }
0x49: {  	v4 =	vadd.s32 v1, v4;
	_ =	sdelay $0x3  }
0x4a: {  	s7 =	simm.s32 $0x6800;
	v3 =	vperm.xlane v3, v2  }
0x4b: {  	[tilespmem:s7], [sflag:$0x3] =	stream.indirect_vreg.gather [hbm4b:s2+s3], $0x80, v4, vm0, $0xb8;
	[tilespmem:$0x18800] =	vst v63  }
0x4c: {  	s20 =	simm.s32 $0x7000;
	v3 =	vadd.s32 v1, v3  }
0x4d: {  	[tilespmem:s20], [sflag:$0x3] =	stream.indirect_vreg.gather [hbm4b:s5+s3], $0x80, v4, vm0, $0xb8;
	[tilespmem:$0x18800] =	vst v63  }
0x4e: {  	s22 =	simm.s32 $0x7800  }
0x4f: {  	[tilespmem:s22], [sflag:$0x3] =	stream.indirect_vreg.gather [hbm4b:s6+s3], $0x80, v4, vm0, $0xb8;
	[tilespmem:$0x18800] =	vst v63  }
0x50: {  	s23 =	simm.s32 $0x8000  }
0x51: {  	[tilespmem:s23], [sflag:$0x3] =	stream.indirect_vreg.gather [hbm4b:s2+s3], $0x80, v3, vm0, $0xb8;
	[tilespmem:$0x18800] =	vst v63  }
0x52: {  	s25 =	simm.s32 $0x8800  }
0x53: {  	[tilespmem:s25], [sflag:$0x3] =	stream.indirect_vreg.gather [hbm4b:s5+s3], $0x80, v3, vm0, $0xb8;
	[tilespmem:$0x18800] =	vst v63  }
0x54: {  	s26 =	simm.s32 $0x9000  }
0x55: {  	[tilespmem:s26], [sflag:$0x3] =	stream.indirect_vreg.gather [hbm4b:s6+s3], $0x80, v3, vm0, $0xb8;
	[tilespmem:$0x18800] =	vst v63  }
0x56: {  	v3 =	vld [tilespmem:$0x180];
	_ =	sdelay $0x4  }
0x57: {  	v51 =	vshrl.u32 v3, $0x3  }
0x58: {  	v4 =	vmul.u32 $0x30, v51  }
0x59: {  	v3 =	vand.u32 $0x7, v3  }
0x5a: {  	v3 =	vor.u32 v3, v4  }
0x5b: {  	v4 =	vperm.xlane v3, v0;
	_ =	sdelay $0x1  }
0x5c: {  	v4 =	vadd.s32 v1, v4;
	_ =	sdelay $0x3  }
0x5d: {  	s14 =	simm.s32 $0x9800;
	v3 =	vperm.xlane v3, v2  }
0x5e: {  	[tilespmem:s14], [sflag:$0x4] =	stream.indirect_vreg.gather [hbm4b:s2+s3], $0x80, v4, vm0, $0xb8;
	[tilespmem:$0x18800] =	vst v63  }
0x5f: {  	v3 =	vadd.s32 v1, v3  }
0x60: {  	[tilespmem:s30], [sflag:$0x4] =	stream.indirect_vreg.gather [hbm4b:s5+s3], $0x80, v4, vm0, $0xb8;
	[tilespmem:$0x18800] =	vst v63  }
0x61: {  	_ = 	snop  }
0x62: {  	[tilespmem:s31], [sflag:$0x4] =	stream.indirect_vreg.gather [hbm4b:s6+s3], $0x80, v4, vm0, $0xb8;
	[tilespmem:$0x18800] =	vst v63  }
0x63: {  	s17 =	simm.s32 $0xB000  }
0x64: {  	[tilespmem:s17], [sflag:$0x4] =	stream.indirect_vreg.gather [hbm4b:s2+s3], $0x80, v3, vm0, $0xb8;
	[tilespmem:$0x18800] =	vst v63  }
0x65: {  	s17 =	simm.s32 $0xB800  }
0x66: {  	[tilespmem:s17], [sflag:$0x4] =	stream.indirect_vreg.gather [hbm4b:s5+s3], $0x80, v3, vm0, $0xb8;
	[tilespmem:$0x18800] =	vst v63  }
0x67: {  	s7 =	simm.s32 $0xC000  }
0x68: {  	[tilespmem:s7], [sflag:$0x4] =	stream.indirect_vreg.gather [hbm4b:s6+s3], $0x80, v3, vm0, $0xb8;
	[tilespmem:$0x18800] =	vst v63  }
0x69: {  	v3 =	vld [tilespmem:$0x200];
	_ =	sdelay $0x4  }
0x6a: {  	v52 =	vshrl.u32 v3, $0x3  }
0x6b: {  	v4 =	vmul.u32 $0x30, v52  }
0x6c: {  	v3 =	vand.u32 $0x7, v3  }
0x6d: {  	v3 =	vor.u32 v3, v4  }
0x6e: {  	v4 =	vperm.xlane v3, v0;
	_ =	sdelay $0x1  }
0x6f: {  	v4 =	vadd.s32 v1, v4;
	_ =	sdelay $0x3  }
0x70: {  	v3 =	vperm.xlane v3, v2  }
0x71: {  	[tilespmem:s15], [sflag:$0x5] =	stream.indirect_vreg.gather [hbm4b:s2+s3], $0x80, v4, vm0, $0xb8;
	[tilespmem:$0x18800] =	vst v63  }
0x72: {  	s14 =	simm.s32 $0xD000;
	v3 =	vadd.s32 v1, v3  }
0x73: {  	[tilespmem:s14], [sflag:$0x5] =	stream.indirect_vreg.gather [hbm4b:s5+s3], $0x80, v4, vm0, $0xb8;
	[tilespmem:$0x18800] =	vst v63  }
0x74: {  	s7 =	simm.s32 $0xD800  }
0x75: {  	[tilespmem:s7], [sflag:$0x5] =	stream.indirect_vreg.gather [hbm4b:s6+s3], $0x80, v4, vm0, $0xb8;
	[tilespmem:$0x18800] =	vst v63  }
0x76: {  	s14 =	simm.s32 $0xE000  }
0x77: {  	[tilespmem:s14], [sflag:$0x5] =	stream.indirect_vreg.gather [hbm4b:s2+s3], $0x80, v3, vm0, $0xb8;
	[tilespmem:$0x18800] =	vst v63  }
0x78: {  	s7 =	simm.s32 $0xE800  }
0x79: {  	[tilespmem:s7], [sflag:$0x5] =	stream.indirect_vreg.gather [hbm4b:s5+s3], $0x80, v3, vm0, $0xb8;
	[tilespmem:$0x18800] =	vst v63  }
0x7a: {  	s14 =	simm.s32 $0xF000  }
0x7b: {  	[tilespmem:s14], [sflag:$0x5] =	stream.indirect_vreg.gather [hbm4b:s6+s3], $0x80, v3, vm0, $0xb8;
	[tilespmem:$0x18800] =	vst v63  }
0x7c: {  	v3 =	vld [tilespmem:$0x280];
	_ =	sdelay $0x4  }
0x7d: {  	v53 =	vshrl.u32 v3, $0x3  }
0x7e: {  	v4 =	vmul.u32 $0x30, v53  }
0x7f: {  	v3 =	vand.u32 $0x7, v3  }
0x80: {  	v3 =	vor.u32 v3, v4  }
0x81: {  	v4 =	vperm.xlane v3, v0;
	_ =	sdelay $0x1  }
0x82: {  	v4 =	vadd.s32 v1, v4;
	_ =	sdelay $0x3  }
0x83: {  	v3 =	vperm.xlane v3, v2  }
0x84: {  	[tilespmem:s13], [sflag:$0x6] =	stream.indirect_vreg.gather [hbm4b:s2+s3], $0x80, v4, vm0, $0xb8;
	[tilespmem:$0x18800] =	vst v63  }
0x85: {  	s7 =	simm.s32 $0x10000;
	v3 =	vadd.s32 v1, v3  }
0x86: {  	[tilespmem:s7], [sflag:$0x6] =	stream.indirect_vreg.gather [hbm4b:s5+s3], $0x80, v4, vm0, $0xb8;
	[tilespmem:$0x18800] =	vst v63  }
0x87: {  	s14 =	simm.s32 $0x10800  }
0x88: {  	[tilespmem:s14], [sflag:$0x6] =	stream.indirect_vreg.gather [hbm4b:s6+s3], $0x80, v4, vm0, $0xb8;
	[tilespmem:$0x18800] =	vst v63  }
0x89: {  	s7 =	simm.s32 $0x11000  }
0x8a: {  	[tilespmem:s7], [sflag:$0x6] =	stream.indirect_vreg.gather [hbm4b:s2+s3], $0x80, v3, vm0, $0xb8;
	[tilespmem:$0x18800] =	vst v63  }
0x8b: {  	s14 =	simm.s32 $0x11800  }
0x8c: {  	[tilespmem:s14], [sflag:$0x6] =	stream.indirect_vreg.gather [hbm4b:s5+s3], $0x80, v3, vm0, $0xb8;
	[tilespmem:$0x18800] =	vst v63  }
0x8d: {  	s7 =	simm.s32 $0x12000  }
0x8e: {  	[tilespmem:s7], [sflag:$0x6] =	stream.indirect_vreg.gather [hbm4b:s6+s3], $0x80, v3, vm0, $0xb8;
	[tilespmem:$0x18800] =	vst v63  }
0x8f: {  	v3 =	vld [tilespmem:$0x300];
	_ =	sdelay $0x4  }
0x90: {  	v54 =	vshrl.u32 v3, $0x3  }
0x91: {  	v4 =	vmul.u32 $0x30, v54  }
0x92: {  	v3 =	vand.u32 $0x7, v3  }
0x93: {  	v3 =	vor.u32 v3, v4  }
0x94: {  	v4 =	vperm.xlane v3, v0;
	_ =	sdelay $0x1  }
0x95: {  	v4 =	vadd.s32 v1, v4;
	_ =	sdelay $0x3  }
0x96: {  	v3 =	vperm.xlane v3, v2  }
0x97: {  	[tilespmem:s11], [sflag:$0x7] =	stream.indirect_vreg.gather [hbm4b:s2+s3], $0x80, v4, vm0, $0xb8;
	[tilespmem:$0x18800] =	vst v63  }
0x98: {  	s14 =	simm.s32 $0x13000;
	v3 =	vadd.s32 v1, v3  }
0x99: {  	[tilespmem:s14], [sflag:$0x7] =	stream.indirect_vreg.gather [hbm4b:s5+s3], $0x80, v4, vm0, $0xb8;
	[tilespmem:$0x18800] =	vst v63  }
0x9a: {  	s7 =	simm.s32 $0x13800  }
0x9b: {  	[tilespmem:s7], [sflag:$0x7] =	stream.indirect_vreg.gather [hbm4b:s6+s3], $0x80, v4, vm0, $0xb8;
	[tilespmem:$0x18800] =	vst v63  }
0x9c: {  	s14 =	simm.s32 $0x14000  }
0x9d: {  	[tilespmem:s14], [sflag:$0x7] =	stream.indirect_vreg.gather [hbm4b:s2+s3], $0x80, v3, vm0, $0xb8;
	[tilespmem:$0x18800] =	vst v63  }
0x9e: {  	s7 =	simm.s32 $0x14800  }
0x9f: {  	[tilespmem:s7], [sflag:$0x7] =	stream.indirect_vreg.gather [hbm4b:s5+s3], $0x80, v3, vm0, $0xb8;
	[tilespmem:$0x18800] =	vst v63  }
0xa0: {  	s14 =	simm.s32 $0x15000  }
0xa1: {  	[tilespmem:s14], [sflag:$0x7] =	stream.indirect_vreg.gather [hbm4b:s6+s3], $0x80, v3, vm0, $0xb8;
	[tilespmem:$0x18800] =	vst v63  }
0xa2: {  	v3 =	vld [tilespmem:$0x380];
	_ =	sdelay $0x4  }
0xa3: {  	v55 =	vshrl.u32 v3, $0x3  }
0xa4: {  	v4 =	vmul.u32 $0x30, v55  }
0xa5: {  	v3 =	vand.u32 $0x7, v3  }
0xa6: {  	v3 =	vor.u32 v3, v4  }
0xa7: {  	v4 =	vperm.xlane v3, v0;
	_ =	sdelay $0x1  }
0xa8: {  	v4 =	vadd.s32 v1, v4;
	_ =	sdelay $0x3  }
0xa9: {  	v3 =	vperm.xlane v3, v2  }
0xaa: {  	[tilespmem:s4], [sflag:$0x8] =	stream.indirect_vreg.gather [hbm4b:s2+s3], $0x80, v4, vm0, $0xb8;
	[tilespmem:$0x18800] =	vst v63  }
0xab: {  	s7 =	simm.s32 $0x16000;
	v3 =	vadd.s32 v1, v3  }
0xac: {  	[tilespmem:s7], [sflag:$0x8] =	stream.indirect_vreg.gather [hbm4b:s5+s3], $0x80, v4, vm0, $0xb8;
	[tilespmem:$0x18800] =	vst v63  }
0xad: {  	s14 =	simm.s32 $0x16800  }
0xae: {  	[tilespmem:s14], [sflag:$0x8] =	stream.indirect_vreg.gather [hbm4b:s6+s3], $0x80, v4, vm0, $0xb8;
	[tilespmem:$0x18800] =	vst v63  }
0xaf: {  	s7 =	simm.s32 $0x17000  }
0xb0: {  	[tilespmem:s7], [sflag:$0x8] =	stream.indirect_vreg.gather [hbm4b:s2+s3], $0x80, v3, vm0, $0xb8;
	[tilespmem:$0x18800] =	vst v63  }
0xb1: {  	s14 =	simm.s32 $0x17800  }
0xb2: {  	[tilespmem:s14], [sflag:$0x8] =	stream.indirect_vreg.gather [hbm4b:s5+s3], $0x80, v3, vm0, $0xb8;
	[tilespmem:$0x18800] =	vst v63  }
0xb3: {  	s0 =	simm.s32 $0x1;
	s7 =	simm.s32 $0x18000  }
0xb4: {  	[tilespmem:s7], [sflag:$0x8] =	stream.indirect_vreg.gather [hbm4b:s6+s3], $0x80, v3, vm0, $0xb8;
	[tilespmem:$0x18800] =	vst v63  }
0xb5: {  	_ =	swait.ge [sflag:s0], $0x3000  }
0xb6: {  	[sflag:s0] =	ssyncset.done $0x0  }
0xb7: {  	s7 =	simm.s32 $0x800;
	s14 =	rddreg [dreg:$0x14];
	[sflag:s0] =	ssyncadd.s32 $0xFFFFD000  }
0xb8: {  	[hbm4b:s14+s3] =	stream.linear.scatter [tilespmem:s7], [sflag:$0x9], $0x3000, $0x38;
	[tilespmem:$0x18800] =	vst v63  }
0xb9: {  	_ =	swait.ge [sflag:s1], $0x3000  }
0xba: {  	[sflag:s1] =	ssyncset.done $0x0  }
0xbb: {  	[sflag:s1] =	ssyncadd.s32 $0xFFFFD000  }
0xbc: {  	v3 =	vld [tilespmem:$0x400];
	_ =	sdelay $0x4  }
0xbd: {  	v56 =	vshrl.u32 v3, $0x3  }
0xbe: {  	v4 =	vmul.u32 $0x30, v56  }
0xbf: {  	v3 =	vand.u32 $0x7, v3  }
0xc0: {  	v3 =	vor.u32 v3, v4  }
0xc1: {  	v4 =	vperm.xlane v3, v0;
	_ =	sdelay $0x1  }
0xc2: {  	v4 =	vadd.s32 v1, v4;
	_ =	sdelay $0x3  }
0xc3: {  	v3 =	vperm.xlane v3, v2  }
0xc4: {  	[tilespmem:s7], [sflag:$0x1] =	stream.indirect_vreg.gather [hbm4b:s2+s3], $0x80, v4, vm0, $0xb8;
	[tilespmem:$0x18800] =	vst v63  }
0xc5: {  	v3 =	vadd.s32 v1, v3  }
0xc6: {  	[tilespmem:s8], [sflag:$0x1] =	stream.indirect_vreg.gather [hbm4b:s5+s3], $0x80, v4, vm0, $0xb8;
	[tilespmem:$0x18800] =	vst v63  }
0xc7: {  	_ = 	snop  }
0xc8: {  	[tilespmem:s9], [sflag:$0x1] =	stream.indirect_vreg.gather [hbm4b:s6+s3], $0x80, v4, vm0, $0xb8;
	[tilespmem:$0x18800] =	vst v63  }
0xc9: {  	_ = 	snop  }
0xca: {  	[tilespmem:s21], [sflag:$0x1] =	stream.indirect_vreg.gather [hbm4b:s2+s3], $0x80, v3, vm0, $0xb8;
	[tilespmem:$0x18800] =	vst v63  }
0xcb: {  	_ = 	snop  }
0xcc: {  	[tilespmem:s28], [sflag:$0x1] =	stream.indirect_vreg.gather [hbm4b:s5+s3], $0x80, v3, vm0, $0xb8;
	[tilespmem:$0x18800] =	vst v63  }
0xcd: {  	s8 =	simm.s32 $0x2  }
0xce: {  	[tilespmem:s10], [sflag:$0x1] =	stream.indirect_vreg.gather [hbm4b:s6+s3], $0x80, v3, vm0, $0xb8;
	[tilespmem:$0x18800] =	vst v63  }
0xcf: {  	_ =	swait.ge [sflag:s8], $0x3000  }
0xd0: {  	[sflag:s8] =	ssyncset.done $0x0  }
0xd1: {  	s10 =	simm.s32 $0x3800;
	s9 =	rddreg [dreg:$0x5];
	[sflag:s8] =	ssyncadd.s32 $0xFFFFD000  }
0xd2: {  	[hbm4b:s9+s3] =	stream.linear.scatter [tilespmem:s10], [sflag:$0xA], $0x3000, $0x38;
	[tilespmem:$0x18800] =	vst v63  }
0xd3: {  	s9 =	simm.s32 $0xA  }
0xd4: {  	_ =	swait.ge [sflag:s9], $0x3000  }
0xd5: {  	[sflag:s9] =	ssyncset.done $0x0  }
0xd6: {  	[sflag:s9] =	ssyncadd.s32 $0xFFFFD000  }
0xd7: {  	v3 =	vld [tilespmem:$0x480];
	_ =	sdelay $0x4  }
0xd8: {  	v57 =	vshrl.u32 v3, $0x3  }
0xd9: {  	v4 =	vmul.u32 $0x30, v57  }
0xda: {  	v3 =	vand.u32 $0x7, v3  }
0xdb: {  	v3 =	vor.u32 v3, v4  }
0xdc: {  	v4 =	vperm.xlane v3, v0;
	_ =	sdelay $0x1  }
0xdd: {  	v4 =	vadd.s32 v1, v4;
	_ =	sdelay $0x3  }
0xde: {  	v3 =	vperm.xlane v3, v2  }
0xdf: {  	[tilespmem:s10], [sflag:$0x2] =	stream.indirect_vreg.gather [hbm4b:s2+s3], $0x80, v4, vm0, $0xb8;
	[tilespmem:$0x18800] =	vst v63  }
0xe0: {  	v3 =	vadd.s32 v1, v3  }
0xe1: {  	[tilespmem:s24], [sflag:$0x2] =	stream.indirect_vreg.gather [hbm4b:s5+s3], $0x80, v4, vm0, $0xb8;
	[tilespmem:$0x18800] =	vst v63  }
0xe2: {  	_ = 	snop  }
0xe3: {  	[tilespmem:s12], [sflag:$0x2] =	stream.indirect_vreg.gather [hbm4b:s6+s3], $0x80, v4, vm0, $0xb8;
	[tilespmem:$0x18800] =	vst v63  }
0xe4: {  	_ = 	snop  }
0xe5: {  	[tilespmem:s16], [sflag:$0x2] =	stream.indirect_vreg.gather [hbm4b:s2+s3], $0x80, v3, vm0, $0xb8;
	[tilespmem:$0x18800] =	vst v63  }
0xe6: {  	_ = 	snop  }
0xe7: {  	[tilespmem:s18], [sflag:$0x2] =	stream.indirect_vreg.gather [hbm4b:s5+s3], $0x80, v3, vm0, $0xb8;
	[tilespmem:$0x18800] =	vst v63  }
0xe8: {  	s10 =	simm.s32 $0x3  }
0xe9: {  	[tilespmem:s19], [sflag:$0x2] =	stream.indirect_vreg.gather [hbm4b:s6+s3], $0x80, v3, vm0, $0xb8;
	[tilespmem:$0x18800] =	vst v63  }
0xea: {  	_ =	swait.ge [sflag:s10], $0x3000  }
0xeb: {  	s24 =	simm.s32 $0x6800;
	[sflag:s10] =	ssyncset.done $0x0  }
0xec: {  	s12 =	simm.s32 $0xB;
	s21 =	rddreg [dreg:$0x6];
	[sflag:s10] =	ssyncadd.s32 $0xFFFFD000  }
0xed: {  	[hbm4b:s21+s3] =	stream.linear.scatter [tilespmem:s24], [sflag:$0xB], $0x3000, $0x38;
	[tilespmem:$0x18800] =	vst v63  }
0xee: {  	_ =	swait.ge [sflag:s12], $0x3000  }
0xef: {  	[sflag:s12] =	ssyncset.done $0x0  }
0xf0: {  	[sflag:s12] =	ssyncadd.s32 $0xFFFFD000  }
0xf1: {  	v3 =	vld [tilespmem:$0x500];
	_ =	sdelay $0x4  }
0xf2: {  	v58 =	vshrl.u32 v3, $0x3  }
0xf3: {  	v4 =	vmul.u32 $0x30, v58  }
0xf4: {  	v3 =	vand.u32 $0x7, v3  }
0xf5: {  	v3 =	vor.u32 v3, v4  }
0xf6: {  	v4 =	vperm.xlane v3, v0;
	_ =	sdelay $0x1  }
0xf7: {  	v4 =	vadd.s32 v1, v4;
	_ =	sdelay $0x3  }
0xf8: {  	v3 =	vperm.xlane v3, v2  }
0xf9: {  	[tilespmem:s24], [sflag:$0x3] =	stream.indirect_vreg.gather [hbm4b:s2+s3], $0x80, v4, vm0, $0xb8;
	[tilespmem:$0x18800] =	vst v63  }
0xfa: {  	v3 =	vadd.s32 v1, v3  }
0xfb: {  	[tilespmem:s20], [sflag:$0x3] =	stream.indirect_vreg.gather [hbm4b:s5+s3], $0x80, v4, vm0, $0xb8;
	[tilespmem:$0x18800] =	vst v63  }
0xfc: {  	_ = 	snop  }
0xfd: {  	[tilespmem:s22], [sflag:$0x3] =	stream.indirect_vreg.gather [hbm4b:s6+s3], $0x80, v4, vm0, $0xb8;
	[tilespmem:$0x18800] =	vst v63  }
0xfe: {  	_ = 	snop  }
0xff: {  	[tilespmem:s23], [sflag:$0x3] =	stream.indirect_vreg.gather [hbm4b:s2+s3], $0x80, v3, vm0, $0xb8;
	[tilespmem:$0x18800] =	vst v63  }
0x100: {  	_ = 	snop  }
0x101: {  	[tilespmem:s25], [sflag:$0x3] =	stream.indirect_vreg.gather [hbm4b:s5+s3], $0x80, v3, vm0, $0xb8;
	[tilespmem:$0x18800] =	vst v63  }
0x102: {  	s16 =	simm.s32 $0x4  }
0x103: {  	[tilespmem:s26], [sflag:$0x3] =	stream.indirect_vreg.gather [hbm4b:s6+s3], $0x80, v3, vm0, $0xb8;
	[tilespmem:$0x18800] =	vst v63  }
0x104: {  	_ =	swait.ge [sflag:s16], $0x3000  }
0x105: {  	s18 =	simm.s32 $0xC;
	[sflag:s16] =	ssyncset.done $0x0  }
0x106: {  	s26 =	simm.s32 $0x9800;
	s25 =	rddreg [dreg:$0x7];
	[sflag:s16] =	ssyncadd.s32 $0xFFFFD000  }
0x107: {  	[hbm4b:s25+s3] =	stream.linear.scatter [tilespmem:s26], [sflag:$0xC], $0x3000, $0x38;
	[tilespmem:$0x18800] =	vst v63  }
0x108: {  	_ =	swait.ge [sflag:s18], $0x3000  }
0x109: {  	[sflag:s18] =	ssyncset.done $0x0  }
0x10a: {  	[sflag:s18] =	ssyncadd.s32 $0xFFFFD000  }
0x10b: {  	v3 =	vld [tilespmem:$0x580];
	_ =	sdelay $0x4  }
0x10c: {  	v59 =	vshrl.u32 v3, $0x3  }
0x10d: {  	v4 =	vmul.u32 $0x30, v59  }
0x10e: {  	v3 =	vand.u32 $0x7, v3  }
0x10f: {  	v3 =	vor.u32 v3, v4  }
0x110: {  	v4 =	vperm.xlane v3, v0;
	_ =	sdelay $0x1  }
0x111: {  	v4 =	vadd.s32 v1, v4;
	_ =	sdelay $0x3  }
0x112: {  	v3 =	vperm.xlane v3, v2  }
0x113: {  	[tilespmem:s26], [sflag:$0x4] =	stream.indirect_vreg.gather [hbm4b:s2+s3], $0x80, v4, vm0, $0xb8;
	[tilespmem:$0x18800] =	vst v63  }
0x114: {  	v3 =	vadd.s32 v1, v3  }
0x115: {  	[tilespmem:s30], [sflag:$0x4] =	stream.indirect_vreg.gather [hbm4b:s5+s3], $0x80, v4, vm0, $0xb8;
	[tilespmem:$0x18800] =	vst v63  }
0x116: {  	_ = 	snop  }
0x117: {  	[tilespmem:s31], [sflag:$0x4] =	stream.indirect_vreg.gather [hbm4b:s6+s3], $0x80, v4, vm0, $0xb8;
	[tilespmem:$0x18800] =	vst v63  }
0x118: {  	s19 =	simm.s32 $0xB000  }
0x119: {  	[tilespmem:s19], [sflag:$0x4] =	stream.indirect_vreg.gather [hbm4b:s2+s3], $0x80, v3, vm0, $0xb8;
	[tilespmem:$0x18800] =	vst v63  }
0x11a: {  	_ = 	snop  }
0x11b: {  	[tilespmem:s17], [sflag:$0x4] =	stream.indirect_vreg.gather [hbm4b:s5+s3], $0x80, v3, vm0, $0xb8;
	[tilespmem:$0x18800] =	vst v63  }
0x11c: {  	s20 =	simm.s32 $0xC000;
	s17 =	simm.s32 $0x5  }
0x11d: {  	[tilespmem:s20], [sflag:$0x4] =	stream.indirect_vreg.gather [hbm4b:s6+s3], $0x80, v3, vm0, $0xb8;
	[tilespmem:$0x18800] =	vst v63  }
0x11e: {  	_ =	swait.ge [sflag:s17], $0x3000  }
0x11f: {  	[sflag:s17] =	ssyncset.done $0x0  }
0x120: {  	s19 =	simm.s32 $0xD;
	s21 =	rddreg [dreg:$0x8];
	[sflag:s17] =	ssyncadd.s32 $0xFFFFD000  }
0x121: {  	[hbm4b:s21+s3] =	stream.linear.scatter [tilespmem:s15], [sflag:$0xD], $0x3000, $0x38;
	[tilespmem:$0x18800] =	vst v63  }
0x122: {  	_ =	swait.ge [sflag:s19], $0x3000  }
0x123: {  	[sflag:s19] =	ssyncset.done $0x0  }
0x124: {  	[sflag:s19] =	ssyncadd.s32 $0xFFFFD000  }
0x125: {  	v3 =	vld [tilespmem:$0x600];
	_ =	sdelay $0x4  }
0x126: {  	v60 =	vshrl.u32 v3, $0x3  }
0x127: {  	v4 =	vmul.u32 $0x30, v60  }
0x128: {  	v3 =	vand.u32 $0x7, v3  }
0x129: {  	v3 =	vor.u32 v3, v4  }
0x12a: {  	v4 =	vperm.xlane v3, v0;
	_ =	sdelay $0x1  }
0x12b: {  	v4 =	vadd.s32 v1, v4;
	_ =	sdelay $0x3  }
0x12c: {  	v3 =	vperm.xlane v3, v2  }
0x12d: {  	[tilespmem:s15], [sflag:$0x5] =	stream.indirect_vreg.gather [hbm4b:s2+s3], $0x80, v4, vm0, $0xb8;
	[tilespmem:$0x18800] =	vst v63  }
0x12e: {  	s22 =	simm.s32 $0xD000;
	v3 =	vadd.s32 v1, v3  }
0x12f: {  	[tilespmem:s22], [sflag:$0x5] =	stream.indirect_vreg.gather [hbm4b:s5+s3], $0x80, v4, vm0, $0xb8;
	[tilespmem:$0x18800] =	vst v63  }
0x130: {  	s23 =	simm.s32 $0xD800  }
0x131: {  	[tilespmem:s23], [sflag:$0x5] =	stream.indirect_vreg.gather [hbm4b:s6+s3], $0x80, v4, vm0, $0xb8;
	[tilespmem:$0x18800] =	vst v63  }
0x132: {  	s24 =	simm.s32 $0xE000  }
0x133: {  	[tilespmem:s24], [sflag:$0x5] =	stream.indirect_vreg.gather [hbm4b:s2+s3], $0x80, v3, vm0, $0xb8;
	[tilespmem:$0x18800] =	vst v63  }
0x134: {  	s25 =	simm.s32 $0xE800  }
0x135: {  	[tilespmem:s25], [sflag:$0x5] =	stream.indirect_vreg.gather [hbm4b:s5+s3], $0x80, v3, vm0, $0xb8;
	[tilespmem:$0x18800] =	vst v63  }
0x136: {  	s20 =	simm.s32 $0xF000  }
0x137: {  	[tilespmem:s20], [sflag:$0x5] =	stream.indirect_vreg.gather [hbm4b:s6+s3], $0x80, v3, vm0, $0xb8;
	[tilespmem:$0x18800] =	vst v63  }
0x138: {  	s20 =	simm.s32 $0x6  }
0x139: {  	_ =	swait.ge [sflag:s20], $0x3000  }
0x13a: {  	[sflag:s20] =	ssyncset.done $0x0  }
0x13b: {  	s21 =	rddreg [dreg:$0x9];
	[sflag:s20] =	ssyncadd.s32 $0xFFFFD000  }
0x13c: {  	[hbm4b:s21+s3] =	stream.linear.scatter [tilespmem:s13], [sflag:$0xE], $0x3000, $0x38;
	[tilespmem:$0x18800] =	vst v63  }
0x13d: {  	s21 =	simm.s32 $0xE  }
0x13e: {  	_ =	swait.ge [sflag:s21], $0x3000  }
0x13f: {  	[sflag:s21] =	ssyncset.done $0x0  }
0x140: {  	[sflag:s21] =	ssyncadd.s32 $0xFFFFD000  }
0x141: {  	v3 =	vld [tilespmem:$0x680];
	_ =	sdelay $0x4  }
0x142: {  	v61 =	vshrl.u32 v3, $0x3  }
0x143: {  	v4 =	vmul.u32 $0x30, v61  }
0x144: {  	v3 =	vand.u32 $0x7, v3  }
0x145: {  	v3 =	vor.u32 v3, v4  }
0x146: {  	v4 =	vperm.xlane v3, v0;
	_ =	sdelay $0x1  }
0x147: {  	v4 =	vadd.s32 v1, v4;
	_ =	sdelay $0x3  }
0x148: {  	v3 =	vperm.xlane v3, v2  }
0x149: {  	[tilespmem:s13], [sflag:$0x6] =	stream.indirect_vreg.gather [hbm4b:s2+s3], $0x80, v4, vm0, $0xb8;
	[tilespmem:$0x18800] =	vst v63  }
0x14a: {  	s22 =	simm.s32 $0x10000;
	v3 =	vadd.s32 v1, v3  }
0x14b: {  	[tilespmem:s22], [sflag:$0x6] =	stream.indirect_vreg.gather [hbm4b:s5+s3], $0x80, v4, vm0, $0xb8;
	[tilespmem:$0x18800] =	vst v63  }
0x14c: {  	s23 =	simm.s32 $0x10800  }
0x14d: {  	[tilespmem:s23], [sflag:$0x6] =	stream.indirect_vreg.gather [hbm4b:s6+s3], $0x80, v4, vm0, $0xb8;
	[tilespmem:$0x18800] =	vst v63  }
0x14e: {  	s24 =	simm.s32 $0x11000  }
0x14f: {  	[tilespmem:s24], [sflag:$0x6] =	stream.indirect_vreg.gather [hbm4b:s2+s3], $0x80, v3, vm0, $0xb8;
	[tilespmem:$0x18800] =	vst v63  }
0x150: {  	s25 =	simm.s32 $0x11800  }
0x151: {  	[tilespmem:s25], [sflag:$0x6] =	stream.indirect_vreg.gather [hbm4b:s5+s3], $0x80, v3, vm0, $0xb8;
	[tilespmem:$0x18800] =	vst v63  }
0x152: {  	s22 =	simm.s32 $0x12000  }
0x153: {  	[tilespmem:s22], [sflag:$0x6] =	stream.indirect_vreg.gather [hbm4b:s6+s3], $0x80, v3, vm0, $0xb8;
	[tilespmem:$0x18800] =	vst v63  }
0x154: {  	s22 =	simm.s32 $0x7  }
0x155: {  	_ =	swait.ge [sflag:s22], $0x3000  }
0x156: {  	[sflag:s22] =	ssyncset.done $0x0  }
0x157: {  	s23 =	rddreg [dreg:$0xa];
	[sflag:s22] =	ssyncadd.s32 $0xFFFFD000  }
0x158: {  	[hbm4b:s23+s3] =	stream.linear.scatter [tilespmem:s11], [sflag:$0xF], $0x3000, $0x38;
	[tilespmem:$0x18800] =	vst v63  }
0x159: {  	s23 =	simm.s32 $0xF  }
0x15a: {  	_ =	swait.ge [sflag:s23], $0x3000  }
0x15b: {  	[sflag:s23] =	ssyncset.done $0x0  }
0x15c: {  	[sflag:s23] =	ssyncadd.s32 $0xFFFFD000  }
0x15d: {  	v3 =	vld [tilespmem:$0x700];
	_ =	sdelay $0x4  }
0x15e: {  	v62 =	vshrl.u32 v3, $0x3  }
0x15f: {  	v4 =	vmul.u32 $0x30, v62  }
0x160: {  	v3 =	vand.u32 $0x7, v3  }
0x161: {  	v3 =	vor.u32 v3, v4  }
0x162: {  	v4 =	vperm.xlane v3, v0;
	_ =	sdelay $0x1  }
0x163: {  	v4 =	vadd.s32 v1, v4;
	_ =	sdelay $0x3  }
0x164: {  	v3 =	vperm.xlane v3, v2  }
0x165: {  	[tilespmem:s11], [sflag:$0x7] =	stream.indirect_vreg.gather [hbm4b:s2+s3], $0x80, v4, vm0, $0xb8;
	[tilespmem:$0x18800] =	vst v63  }
0x166: {  	s24 =	simm.s32 $0x13000;
	v3 =	vadd.s32 v1, v3  }
0x167: {  	[tilespmem:s24], [sflag:$0x7] =	stream.indirect_vreg.gather [hbm4b:s5+s3], $0x80, v4, vm0, $0xb8;
	[tilespmem:$0x18800] =	vst v63  }
0x168: {  	s25 =	simm.s32 $0x13800  }
0x169: {  	[tilespmem:s25], [sflag:$0x7] =	stream.indirect_vreg.gather [hbm4b:s6+s3], $0x80, v4, vm0, $0xb8;
	[tilespmem:$0x18800] =	vst v63  }
0x16a: {  	s24 =	simm.s32 $0x14000  }
0x16b: {  	[tilespmem:s24], [sflag:$0x7] =	stream.indirect_vreg.gather [hbm4b:s2+s3], $0x80, v3, vm0, $0xb8;
	[tilespmem:$0x18800] =	vst v63  }
0x16c: {  	s25 =	simm.s32 $0x14800  }
0x16d: {  	[tilespmem:s25], [sflag:$0x7] =	stream.indirect_vreg.gather [hbm4b:s5+s3], $0x80, v3, vm0, $0xb8;
	[tilespmem:$0x18800] =	vst v63  }
0x16e: {  	s24 =	simm.s32 $0x15000  }
0x16f: {  	[tilespmem:s24], [sflag:$0x7] =	stream.indirect_vreg.gather [hbm4b:s6+s3], $0x80, v3, vm0, $0xb8;
	[tilespmem:$0x18800] =	vst v63  }
0x170: {  	s24 =	simm.s32 $0x8  }
0x171: {  	_ =	swait.ge [sflag:s24], $0x3000  }
0x172: {  	[sflag:s24] =	ssyncset.done $0x0  }
0x173: {  	s25 =	rddreg [dreg:$0xb];
	[sflag:s24] =	ssyncadd.s32 $0xFFFFD000  }
0x174: {  	[hbm4b:s25+s3] =	stream.linear.scatter [tilespmem:s4], [sflag:$0x10], $0x3000, $0x38;
	[tilespmem:$0x18800] =	vst v63  }
0x175: {  	s25 =	simm.s32 $0x10  }
0x176: {  	_ =	swait.ge [sflag:s25], $0x3000  }
0x177: {  	[sflag:s25] =	ssyncset.done $0x0  }
0x178: {  	[sflag:s25] =	ssyncadd.s32 $0xFFFFD000  }
0x179: {  	v3 =	vld [tilespmem:$0x780];
	_ =	sdelay $0x4  }
0x17a: {  	v63 =	vshrl.u32 v3, $0x3  }
0x17b: {  	v4 =	vmul.u32 $0x30, v63  }
0x17c: {  	v3 =	vand.u32 $0x7, v3  }
0x17d: {  	v3 =	vor.u32 v3, v4  }
0x17e: {  	v4 =	vperm.xlane v3, v0;
	_ =	sdelay $0x1  }
0x17f: {  	v4 =	vadd.s32 v1, v4;
	_ =	sdelay $0x3  }
0x180: {  	v3 =	vperm.xlane v3, v2  }
0x181: {  	[tilespmem:s4], [sflag:$0x8] =	stream.indirect_vreg.gather [hbm4b:s2+s3], $0x80, v4, vm0, $0xb8;
	[tilespmem:$0x18800] =	vst v63  }
0x182: {  	s14 =	simm.s32 $0x16000;
	v3 =	vadd.s32 v1, v3  }
0x183: {  	[tilespmem:s14], [sflag:$0x8] =	stream.indirect_vreg.gather [hbm4b:s5+s3], $0x80, v4, vm0, $0xb8;
	[tilespmem:$0x18800] =	vst v63  }
0x184: {  	s14 =	simm.s32 $0x16800  }
0x185: {  	[tilespmem:s14], [sflag:$0x8] =	stream.indirect_vreg.gather [hbm4b:s6+s3], $0x80, v4, vm0, $0xb8;
	[tilespmem:$0x18800] =	vst v63  }
0x186: {  	s14 =	simm.s32 $0x17000  }
0x187: {  	[tilespmem:s14], [sflag:$0x8] =	stream.indirect_vreg.gather [hbm4b:s2+s3], $0x80, v3, vm0, $0xb8;
	[tilespmem:$0x18800] =	vst v63  }
0x188: {  	s14 =	simm.s32 $0x17800  }
0x189: {  	[tilespmem:s14], [sflag:$0x8] =	stream.indirect_vreg.gather [hbm4b:s5+s3], $0x80, v3, vm0, $0xb8;
	[tilespmem:$0x18800] =	vst v63  }
0x18a: {  	s14 =	simm.s32 $0x18000  }
0x18b: {  	[tilespmem:s14], [sflag:$0x8] =	stream.indirect_vreg.gather [hbm4b:s6+s3], $0x80, v3, vm0, $0xb8;
	[tilespmem:$0x18800] =	vst v63  }
0x18c: {  	_ =	swait.ge [sflag:s0], $0x3000  }
0x18d: {  	[sflag:s0] =	ssyncset.done $0x0  }
0x18e: {  	s14 =	rddreg [dreg:$0xc];
	[sflag:s0] =	ssyncadd.s32 $0xFFFFD000;
	s0 =	simm.s32 $0x800  }
0x18f: {  	[hbm4b:s14+s3] =	stream.linear.scatter [tilespmem:s0], [sflag:$0x9], $0x3000, $0x38;
	[tilespmem:$0x18800] =	vst v63  }
0x190: {  	_ =	swait.ge [sflag:s8], $0x3000  }
0x191: {  	[sflag:s8] =	ssyncset.done $0x0  }
0x192: {  	s7 =	simm.s32 $0x3800;
	s0 =	rddreg [dreg:$0xd];
	[sflag:s8] =	ssyncadd.s32 $0xFFFFD000  }
0x193: {  	[hbm4b:s0+s3] =	stream.linear.scatter [tilespmem:s7], [sflag:$0xA], $0x3000, $0x38;
	[tilespmem:$0x18800] =	vst v63  }
0x194: {  	_ =	swait.ge [sflag:s10], $0x3000  }
0x195: {  	[sflag:s10] =	ssyncset.done $0x0  }
0x196: {  	s28 =	simm.s32 $0x6800;
	s8 =	rddreg [dreg:$0xe];
	[sflag:s10] =	ssyncadd.s32 $0xFFFFD000  }
0x197: {  	[hbm4b:s8+s3] =	stream.linear.scatter [tilespmem:s28], [sflag:$0xB], $0x3000, $0x38;
	[tilespmem:$0x18800] =	vst v63  }
0x198: {  	_ =	swait.ge [sflag:s16], $0x3000  }
0x199: {  	[sflag:s16] =	ssyncset.done $0x0  }
0x19a: {  	s26 =	simm.s32 $0x9800;
	s10 =	rddreg [dreg:$0xf];
	[sflag:s16] =	ssyncadd.s32 $0xFFFFD000  }
0x19b: {  	[hbm4b:s10+s3] =	stream.linear.scatter [tilespmem:s26], [sflag:$0xC], $0x3000, $0x38;
	[tilespmem:$0x18800] =	vst v63  }
0x19c: {  	_ =	swait.ge [sflag:s17], $0x3000  }
0x19d: {  	[sflag:s17] =	ssyncset.done $0x0  }
0x19e: {  	s16 =	rddreg [dreg:$0x10];
	[sflag:s17] =	ssyncadd.s32 $0xFFFFD000  }
0x19f: {  	[hbm4b:s16+s3] =	stream.linear.scatter [tilespmem:s15], [sflag:$0xD], $0x3000, $0x38;
	[tilespmem:$0x18800] =	vst v63  }
0x1a0: {  	_ =	swait.ge [sflag:s20], $0x3000  }
0x1a1: {  	[sflag:s20] =	ssyncset.done $0x0  }
0x1a2: {  	s17 =	rddreg [dreg:$0x11];
	[sflag:s20] =	ssyncadd.s32 $0xFFFFD000  }
0x1a3: {  	[hbm4b:s17+s3] =	stream.linear.scatter [tilespmem:s13], [sflag:$0xE], $0x3000, $0x38;
	[tilespmem:$0x18800] =	vst v63  }
0x1a4: {  	_ =	swait.ge [sflag:s22], $0x3000  }
0x1a5: {  	[sflag:s22] =	ssyncset.done $0x0  }
0x1a6: {  	s26 =	rddreg [dreg:$0x12];
	[sflag:s22] =	ssyncadd.s32 $0xFFFFD000  }
0x1a7: {  	[hbm4b:s26+s3] =	stream.linear.scatter [tilespmem:s11], [sflag:$0xF], $0x3000, $0x38;
	[tilespmem:$0x18800] =	vst v63  }
0x1a8: {  	_ =	swait.ge [sflag:s24], $0x3000  }
0x1a9: {  	[sflag:s24] =	ssyncset.done $0x0  }
0x1aa: {  	s28 =	rddreg [dreg:$0x13];
	[sflag:s24] =	ssyncadd.s32 $0xFFFFD000  }
0x1ab: {  	[hbm4b:s28+s3] =	stream.linear.scatter [tilespmem:s4], [sflag:$0x10], $0x3000, $0x38;
	[tilespmem:$0x18800] =	vst v63  }
0x1ac: {  	_ =	swait.ge [sflag:s1], $0x3000  }
0x1ad: {  	[sflag:s1] =	ssyncset.done $0x0  }
0x1ae: {  	[sflag:s1] =	ssyncadd.s32 $0xFFFFD000  }
0x1af: {  	_ =	swait.ge [sflag:s9], $0x3000  }
0x1b0: {  	[sflag:s9] =	ssyncset.done $0x0  }
0x1b1: {  	[sflag:s9] =	ssyncadd.s32 $0xFFFFD000  }
0x1b2: {  	_ =	swait.ge [sflag:s12], $0x3000  }
0x1b3: {  	[sflag:s12] =	ssyncset.done $0x0  }
0x1b4: {  	[sflag:s12] =	ssyncadd.s32 $0xFFFFD000  }
0x1b5: {  	_ =	swait.ge [sflag:s18], $0x3000  }
0x1b6: {  	[sflag:s18] =	ssyncset.done $0x0  }
0x1b7: {  	[sflag:s18] =	ssyncadd.s32 $0xFFFFD000  }
0x1b8: {  	_ =	swait.ge [sflag:s19], $0x3000  }
0x1b9: {  	[sflag:s19] =	ssyncset.done $0x0  }
0x1ba: {  	[sflag:s19] =	ssyncadd.s32 $0xFFFFD000  }
0x1bb: {  	_ =	swait.ge [sflag:s21], $0x3000  }
0x1bc: {  	[sflag:s21] =	ssyncset.done $0x0  }
0x1bd: {  	[sflag:s21] =	ssyncadd.s32 $0xFFFFD000  }
0x1be: {  	p0 =	sne.s32 s29, $0x1;
	_ =	swait.ge [sflag:s23], $0x3000  }
.Ltmp0:
0x1bf: {  	[sflag:s23] =	ssyncset.done $0x0;
	(pc) =	sbr.rel @p0 .LBB2_1-.Ltmp0, $4  }
0x1c0: {  	[sflag:s23] =	ssyncadd.s32 $0xFFFFD000  }
0x1c1: {  	_ =	swait.ge [sflag:s25], $0x3000  }
0x1c2: {  	[sflag:s25] =	ssyncset.done $0x0  }
0x1c3: {  	s29 =	sadd.s32 $0xFFFFFFFF, s29;
	[sflag:s25] =	ssyncadd.s32 $0xFFFFD000  }
0x1c4: {  	_ =	sfence.sel $0x180000  }
0x1c5: {  	[bflag:$0x0] =	sbarrier.arrive $0xFFFF  }
0x1c6: {  	_ =	strace $0x90000047  }
0x1c7: {  	s0 =	stileid.u32;
	[bflag:$0x2] =	sbarrier.arrive $0xFFFF  }
0x1c8: {  	p0 =	sne.s32 s0, $0x0;
	s0 =	rddreg [dreg:$0x3]  }
0x1c9: {  	s0 =	sadd.s32 @!p0 $0x100000, s0  }
0x1ca: {  	[sflag:s0] =	ssyncadd.tile.s32 @!p0 $0x1;
	_ =	shalt  }
.Lfunc_end2:
_tile_overlayer_lowered:
.L_overlay_start_2:
0x1cb: {  	(tag) =	ssettag $0x2  }
0x1cc: {  	s0 =	rddreg [dreg:$0x0];
	s2 =	stileid.u32  }
0x1cd: {  	s1 =	rddreg [dreg:$0x1];
	p0 =	sne.s32 s2, $0x0  }
0x1ce: {  	s3 =	rddreg [dreg:$0x2];
	[bflag:$0x3] =	sbarrier.arrive $0xFFFF;
	s2 =	simm.s32 @!p0 $0x1C11  }
0x1cf: {  	[timem:s3], [sflag:s2] =	dma.local @!p0 [hbm:s0], s1  }
0x1d0: {  	s0 =	simm.s32 @!p0 $0x11  }
0x1d1: {  	_ =	swait.ge @!p0 [sflag:s0], s1  }
0x1d2: {  	s1 =	ssub.s32 @!p0 $0x0, s1;
	[sflag:s0] =	ssyncset.done @!p0 $0x0  }
0x1d3: {  	[sflag:s0] =	ssyncadd.s32 @!p0 s1  }
0x1d4: {  	[bflag:$0x3] =	sbarrier.arrive $0xFFFF  }
0x1d5: {  	_ =	shalt  }

</sc_bundles>
